<compile_context>
chip_gen: v7x
topology: tpu7x:2x2x1
jax: 0.10.2.dev20260603
libtpu: 0.0.44.dev20260713+nightly
codegen_flags: <defaults>
</compile_context>

<pallas_src>
import functools
import math

import jax
import jax.numpy as jnp
import numpy as np
from jax import lax
from jax.experimental import pallas as pl
from jax.experimental.pallas import tpu as pltpu

try:
    from jax.experimental.pallas import tpu_sc as plsc
except ImportError:
    plsc = None

EMB = 128
TEMB = 16
PE_MAX = 512
EPS = 1e-12



def _sc_gather(table, idx3d, n_tokens):
    dtype = table.dtype
    d = table.shape[1]
    info = plsc.get_sparse_core_info()
    nw = info.num_cores * info.num_subcores
    rc = 64
    chunks_per_w = (n_tokens // rc) // nw
    per_w = chunks_per_w * rc
    mesh = plsc.VectorSubcoreMesh(core_axis_name="c", subcore_axis_name="s")

    nbuf = 10
    assert chunks_per_w % nbuf == 0, chunks_per_w

    @functools.partial(
        pl.kernel,
        mesh=mesh,
        out_type=jax.ShapeDtypeStruct((n_tokens, d), dtype),
        scratch_types=[
            pltpu.VMEM((chunks_per_w, rc), jnp.int32),
            pltpu.VMEM((nbuf, rc, d), dtype),
            pltpu.SemaphoreType.DMA((nbuf,)),
            pltpu.SemaphoreType.DMA((nbuf,)),
        ],
    )
    def gather_k(table_hbm, idx_hbm, out_hbm, idx_v, rows_v, sg, ss):
        wid = lax.axis_index("s") * info.num_cores + lax.axis_index("c")
        pltpu.sync_copy(idx_hbm.at[wid], idx_v)
        base = wid * per_w

        def g_start(j, b):
            pltpu.make_async_copy(table_hbm.at[idx_v.at[j]], rows_v.at[b],
                                  sg.at[b]).start()

        def g_wait(b):
            pltpu.make_async_copy(table_hbm.at[idx_v.at[0]], rows_v.at[b],
                                  sg.at[b]).wait()

        def s_start(j, b):
            pltpu.make_async_copy(rows_v.at[b],
                                  out_hbm.at[pl.ds(base + j * rc, rc)],
                                  ss.at[b]).start()

        def s_wait(b):
            pltpu.make_async_copy(rows_v.at[b], out_hbm.at[pl.ds(base, rc)],
                                  ss.at[b]).wait()

        for b in range(nbuf):
            g_start(b, b)

        def outer(t0, carry):
            for b in range(nbuf):
                j = t0 * nbuf + b
                g_wait(b)
                s_start(j, b)
                s_wait(b)
                nj = j + nbuf

                @pl.when(nj < chunks_per_w)
                def _():
                    g_start(nj, b)
            return carry

        lax.fori_loop(0, chunks_per_w // nbuf, outer, 0)

    return gather_k(table, idx3d)



def _fast_sin(x):
    inv_2pi = 0.15915494309189535
    c1 = 6.28125
    c2 = 0.0019353071795864769
    k = jnp.round(x * inv_2pi)
    r = (x - k * c1) - k * c2
    r2 = r * r
    p = 1.0 / 6227020800.0
    p = p * r2 - 1.0 / 39916800.0
    p = p * r2 + 1.0 / 362880.0
    p = p * r2 - 1.0 / 5040.0
    p = p * r2 + 1.0 / 120.0
    p = p * r2 - 1.0 / 6.0
    p = p * r2 + 1.0
    return r * p


def _tc_body(g_ref, ints_ref, wc_ref, wf_ref, a_ref, b48_ref, c_ref, d_ref,
             vt_ref, b_ref, gamma_ref, beta_ref, out_ref):
    ints = ints_ref[...]
    tsf = ints[0:1, :].astype(jnp.float32)
    agef = ints[1:2, :].astype(jnp.float32)
    normf = jnp.clip(ints[2:3, :] - ints[3:4, :], 0, PE_MAX - 1).astype(jnp.float32)
    arg = a_ref[...] * tsf + b48_ref[...] * agef + c_ref[...] * normf + d_ref[...]
    feat_t = _fast_sin(arg)
    vs = ints[4:5, :]
    row_ids = lax.broadcasted_iota(jnp.int32, (8, 1), 0)
    onehot_t = (vs == row_ids).astype(jnp.float32)
    acc = jnp.dot(g_ref[...], wc_ref[...], preferred_element_type=jnp.float32)
    acc = acc + jnp.dot(jnp.transpose(feat_t), wf_ref[...],
                        preferred_element_type=jnp.float32)
    acc = acc + b_ref[...]
    x = jnp.tanh(acc)
    x = x + jnp.dot(jnp.transpose(onehot_t), vt_ref[...],
                    preferred_element_type=jnp.float32)
    mu = jnp.mean(x, axis=-1, keepdims=True)
    var = jnp.mean(x * x, axis=-1, keepdims=True) - mu * mu
    scale = lax.rsqrt(var + EPS)
    out_ref[...] = ((x - mu) * scale) * gamma_ref[...] + beta_ref[...]


def kernel(concept_ids, time_stamps, ages, visit_orders, visit_segments,
           concept_table, visit_table, w_time, phi_time, w_age, phi_age,
           pe, W, b, gamma, beta):
    B, L = concept_ids.shape
    BL = B * L
    nsplit = 1
    half = BL // nsplit

    idx4d = concept_ids.astype(jnp.int32).reshape(nsplit, 32, half // (32 * 64), 64)
    gathered = [_sc_gather(concept_table, idx4d[h], half) for h in range(nsplit)]

    i32 = jnp.int32
    ints_t = jnp.stack([
        time_stamps.astype(i32).reshape(BL),
        ages.astype(i32).reshape(BL),
        visit_orders.astype(i32).reshape(BL),
        jnp.broadcast_to(visit_orders[:, 0:1], (B, L)).astype(i32).reshape(BL),
        visit_segments.astype(i32).reshape(BL),
    ], axis=0)

    wc = W[:EMB]
    wf = jnp.concatenate([W[EMB:EMB + TEMB], W[EMB + TEMB:EMB + 2 * TEMB],
                          W[EMB + 2 * TEMB::2], W[EMB + 2 * TEMB + 1::2]], axis=0)
    div = np.exp(np.arange(0, TEMB, 2, dtype=np.float32)
                 * -(math.log(10000.0) / TEMB)).astype(np.float32)
    z8 = np.zeros(8, np.float32)
    z16 = np.zeros(16, np.float32)
    acol = jnp.concatenate([w_time[0], jnp.asarray(np.concatenate([z16, z8, z8]))]).reshape(48, 1)
    bcol = jnp.concatenate([jnp.asarray(z16), w_age[0], jnp.asarray(np.concatenate([z8, z8]))]).reshape(48, 1)
    ccol = jnp.asarray(np.concatenate([z16, z16, div, div])).reshape(48, 1)
    dcol = jnp.concatenate([phi_time[0], phi_age[0],
                            jnp.asarray(np.concatenate([z8, np.full(8, math.pi / 2, np.float32)]))]).reshape(48, 1)

    vt8 = jnp.concatenate([visit_table, jnp.zeros((5, EMB), jnp.float32)], axis=0)

    T = 8192
    nb = half // T
    full = lambda shape: pl.BlockSpec(shape, lambda i: tuple(0 for _ in shape))

    def tc_call(g_half, ints_half):
        return pl.pallas_call(
            _tc_body,
            grid=(nb,),
            in_specs=[
                pl.BlockSpec((T, EMB), lambda i: (i, 0)),
                pl.BlockSpec((5, T), lambda i: (0, i)),
                full((EMB, EMB)),
                full((48, EMB)),
                full((48, 1)), full((48, 1)), full((48, 1)), full((48, 1)),
                full((8, EMB)),
                full((1, EMB)), full((1, EMB)), full((1, EMB)),
            ],
            out_specs=pl.BlockSpec((T, EMB), lambda i: (i, 0)),
            out_shape=jax.ShapeDtypeStruct((half, EMB), jnp.float32),
        )(g_half, ints_half, wc, wf, acol, bcol, ccol, dcol,
          vt8, b.reshape(1, EMB), gamma.reshape(1, EMB), beta.reshape(1, EMB))

    outs = [tc_call(gathered[h], ints_t[:, h * half:(h + 1) * half]) for h in range(nsplit)]
    out = outs[0] if nsplit == 1 else jnp.concatenate(outs, axis=0)
    return out.reshape(B, L, EMB)

# --- scband reference (transcript-rebuilt; emitter-appended) ---
"""Pipeline reference for scband-embeddings-17300128268560 (READ-ONLY COPY).

The authoritative reference and input builder live on the scoring server;
editing this copy changes nothing except your own understanding.
"""

import math
import jax, jax.numpy as jnp
import numpy as np

VOCAB = 100000
EMB = 128
TEMB = 16
VISIT_ORDER_SIZE = 3
MAX_LEN = 512
EPS = 1e-12
B, L = 1024, 200


def _make_pe(max_len, d):
    pe = np.zeros((max_len, d), dtype=np.float32)
    position = np.arange(0, max_len, dtype=np.float32)[:, None]
    div_term = np.exp(np.arange(0, d, 2, dtype=np.float32) * -(math.log(10000.0) / d))
    pe[:, 0::2] = np.sin(position * div_term)
    pe[:, 1::2] = np.cos(position * div_term)
    return jnp.asarray(pe)


def setup_inputs(seed: int = 0) -> dict:
    key = jax.random.key(seed)
    ks = jax.random.split(key, 12)
    concept_ids = jax.random.randint(ks[0], (B, L), 0, VOCAB, dtype=jnp.int64) if jax.config.jax_enable_x64 else jax.random.randint(ks[0], (B, L), 0, VOCAB, dtype=jnp.int32)
    time_stamps = jnp.sort(jax.random.randint(ks[1], (B, L), 0, 10000), axis=-1)
    ages = jax.random.randint(ks[2], (B, L), 0, 100)
    visit_orders = jnp.sort(jax.random.randint(ks[3], (B, L), 0, 512), axis=-1)
    visit_segments = jax.random.randint(ks[4], (B, L), 0, VISIT_ORDER_SIZE)
    concept_table = jax.random.normal(ks[5], (VOCAB, EMB), dtype=jnp.float32)
    visit_table = jax.random.normal(ks[6], (VISIT_ORDER_SIZE, EMB), dtype=jnp.float32)
    a = math.sqrt(6.0 / (1 + TEMB))
    w_time = jax.random.uniform(ks[7], (1, TEMB), minval=-a, maxval=a, dtype=jnp.float32)
    phi_time = jax.random.uniform(ks[8], (1, TEMB), minval=-a, maxval=a, dtype=jnp.float32)
    w_age = jax.random.uniform(ks[9], (1, TEMB), minval=-a, maxval=a, dtype=jnp.float32)
    phi_age = jax.random.uniform(ks[10], (1, TEMB), minval=-a, maxval=a, dtype=jnp.float32)
    fan_in = EMB + 3 * TEMB
    bound = 1.0 / math.sqrt(fan_in)
    kw, kb = jax.random.split(ks[11])
    W = jax.random.uniform(kw, (fan_in, EMB), minval=-bound, maxval=bound, dtype=jnp.float32)
    b = jax.random.uniform(kb, (EMB,), minval=-bound, maxval=bound, dtype=jnp.float32)
    gamma = jnp.ones((EMB,), dtype=jnp.float32)
    beta = jnp.zeros((EMB,), dtype=jnp.float32)
    pe = _make_pe(MAX_LEN, TEMB)
    return {
        'concept_ids': concept_ids, 'time_stamps': time_stamps, 'ages': ages,
        'visit_orders': visit_orders, 'visit_segments': visit_segments,
        'concept_table': concept_table, 'visit_table': visit_table,
        'w_time': w_time, 'phi_time': phi_time, 'w_age': w_age, 'phi_age': phi_age,
        'pe': pe, 'W': W, 'b': b, 'gamma': gamma, 'beta': beta,
    }


def _time_embed(ts, w, phi):
    ts = ts.astype(jnp.float32)
    return jnp.sin(ts[..., None] * w[0] + phi[0])


def _layer_norm(x, gamma, beta, eps):
    mu = jnp.mean(x, axis=-1, keepdims=True)
    var = jnp.mean((x - mu) ** 2, axis=-1, keepdims=True)
    return (x - mu) / jnp.sqrt(var + eps) * gamma + beta


def reference(concept_ids, time_stamps, ages, visit_orders, visit_segments,
              concept_table, visit_table, w_time, phi_time, w_age, phi_age,
              pe, W, b, gamma, beta):
    concept_embed = jnp.take(concept_table, concept_ids, axis=0)
    time_embed = _time_embed(time_stamps, w_time, phi_time)
    age_embed = _time_embed(ages, w_age, phi_age)
    first = visit_orders[:, 0:1]
    norm_orders = jnp.clip(visit_orders - first, 0, pe.shape[0] - 1)
    positional_embed = jnp.take(pe, norm_orders, axis=0)
    visit_segment_embed = jnp.take(visit_table, visit_segments, axis=0)
    embeddings = jnp.concatenate((concept_embed, time_embed, age_embed, positional_embed), axis=-1)
    embeddings = jnp.tanh(embeddings @ W + b)
    embeddings = visit_segment_embed + embeddings
    embeddings = _layer_norm(embeddings, gamma, beta, EPS)
    # dropout in eval mode is identity
    return embeddings

if __name__ == "__main__":
    import jax
    _d = setup_inputs()
    print(jax.jit(kernel)(*tuple(_d.values())))

</pallas_src>

<mosaic_0001>
#map = affine_map<(d0, d1) -> (0, 0)>
#map1 = affine_map<(d0, d1) -> (0, 0, 0)>
module attributes {stable_mosaic.version = 14 : i64} {
  func.func @gather_k(%arg0: i32, %arg1: i32, %arg2: memref<100000x128xf32, #tpu.memory_space<hbm>>, %arg3: memref<32x100x64xi32, #tpu.memory_space<hbm>>, %arg4: memref<204800x128xf32, #tpu.memory_space<hbm>>, %arg5: memref<100x64xi32, #tpu.memory_space<vmem>>, %arg6: memref<10x64x128xf32, #tpu.memory_space<vmem>>, %arg7: memref<10x!tpu.dma_semaphore, #tpu.memory_space<semaphore_mem>>, %arg8: memref<10x!tpu.dma_semaphore, #tpu.memory_space<semaphore_mem>>) attributes {dimension_semantics = [#tpu.dimension_semantics<core_parallel>, #tpu.dimension_semantics<subcore_parallel>], iteration_bounds = array<i64: 2, 16>, scalar_prefetch = 0 : i64, scratch_operands = 4 : i64, tpu.core_type = #tpu.core_type<sc_vector_subcore>, window_params = [{transform_indices = #map}, {transform_indices = #map1}, {transform_indices = #map}]} {
    %mul3A = arith.constant 2 : i32
    %mul3A_0 = arith.muli %arg1, %mul3A : i32
    %add3A = arith.addi %mul3A_0, %arg0 : i32
    "tpu.region"() ({
      %run_scoped3A = tpu.sem_alloc : memref<!tpu.dma_semaphore, #tpu.memory_space<semaphore_mem>>
      %dma_start3A_157 = arith.constant 0 : i32
      %dma_start3A_158 = arith.constant 0 : i32
      %dma_start3A_159 = tpu.memref_slice %arg3[%add3A, %dma_start3A_157, %dma_start3A_158] : memref<32x100x64xi32, #tpu.memory_space<hbm>> -> memref<1x100x64xi32, #tpu.memory_space<hbm>>
      %dma_start3A_160 = tpu.memref_squeeze %dma_start3A_159 : memref<1x100x64xi32, #tpu.memory_space<hbm>> -> memref<100x64xi32, #tpu.memory_space<hbm>>
      %dma_start3A_161 = arith.constant 0 : i32
      %dma_start3A_162 = arith.constant 0 : i32
      %dma_start3A_163 = tpu.memref_slice %arg3[%add3A, %dma_start3A_161, %dma_start3A_162] : memref<32x100x64xi32, #tpu.memory_space<hbm>> -> memref<1x100x64xi32, #tpu.memory_space<hbm>>
      %dma_start3A_164 = tpu.memref_squeeze %dma_start3A_163 : memref<1x100x64xi32, #tpu.memory_space<hbm>> -> memref<100x64xi32, #tpu.memory_space<hbm>>
      tpu.enqueue_dma source(%dma_start3A_164 : memref<100x64xi32, #tpu.memory_space<hbm>>) target(%arg5 : memref<100x64xi32, #tpu.memory_space<vmem>>) target_semaphore(%run_scoped3A : memref<!tpu.dma_semaphore, #tpu.memory_space<semaphore_mem>>)
      %dma_wait3A = arith.constant 0 : i32
      %dma_wait3A_165 = arith.constant 0 : i32
      %dma_wait3A_166 = tpu.memref_slice %arg3[%add3A, %dma_wait3A, %dma_wait3A_165] : memref<32x100x64xi32, #tpu.memory_space<hbm>> -> memref<1x100x64xi32, #tpu.memory_space<hbm>>
      %dma_wait3A_167 = tpu.memref_squeeze %dma_wait3A_166 : memref<1x100x64xi32, #tpu.memory_space<hbm>> -> memref<100x64xi32, #tpu.memory_space<hbm>>
      %dma_wait3A_168 = arith.constant 0 : i32
      %dma_wait3A_169 = arith.constant 0 : i32
      %dma_wait3A_170 = tpu.memref_slice %arg3[%add3A, %dma_wait3A_168, %dma_wait3A_169] : memref<32x100x64xi32, #tpu.memory_space<hbm>> -> memref<1x100x64xi32, #tpu.memory_space<hbm>>
      %dma_wait3A_171 = tpu.memref_squeeze %dma_wait3A_170 : memref<1x100x64xi32, #tpu.memory_space<hbm>> -> memref<100x64xi32, #tpu.memory_space<hbm>>
      tpu.wait_dma2 semaphore(%run_scoped3A : memref<!tpu.dma_semaphore, #tpu.memory_space<semaphore_mem>>) src(%dma_wait3A_171 : memref<100x64xi32, #tpu.memory_space<hbm>>) dst(%arg5 : memref<100x64xi32, #tpu.memory_space<vmem>>)
      tpu.yield
    }) : () -> ()
    %mul3A_1 = arith.constant 6400 : i32
    %mul3A_2 = arith.muli %add3A, %mul3A_1 : i32
    %dma_start3A = arith.constant 0 : i32
    %dma_start3A_3 = arith.constant 0 : i32
    %dma_start3A_4 = arith.constant 0 : i32
    %dma_start3A_5 = arith.constant 0 : i32
    %dma_start3A_6 = arith.constant 0 : i32
    %dma_start3A_7 = tpu.memref_slice %arg6[%dma_start3A_3, %dma_start3A_5, %dma_start3A_6] : memref<10x64x128xf32, #tpu.memory_space<vmem>> -> memref<1x64x128xf32, #tpu.memory_space<vmem>>
    %dma_start3A_8 = tpu.memref_squeeze %dma_start3A_7 : memref<1x64x128xf32, #tpu.memory_space<vmem>> -> memref<64x128xf32, #tpu.memory_space<vmem>>
    %dma_start3A_9 = arith.constant 0 : i32
    %dma_start3A_10 = tpu.memref_slice %arg5[%dma_start3A, %dma_start3A_9] : memref<100x64xi32, #tpu.memory_space<vmem>> -> memref<1x64xi32, #tpu.memory_space<vmem>>
    %dma_start3A_11 = tpu.memref_squeeze %dma_start3A_10 : memref<1x64xi32, #tpu.memory_space<vmem>> -> memref<64xi32, #tpu.memory_space<vmem>>
    %dma_start3A_12 = arith.constant 0 : i32
    %dma_start3A_13 = arith.constant 0 : i32
    %dma_start3A_14 = tpu.memref_slice %arg2[%dma_start3A_12, %dma_start3A_13] : memref<100000x128xf32, #tpu.memory_space<hbm>> -> memref<100000x128xf32, #tpu.memory_space<hbm>>
    %dma_start3A_15 = tpu.memref_slice %arg7[%dma_start3A_4] : memref<10x!tpu.dma_semaphore, #tpu.memory_space<semaphore_mem>> -> memref<1x!tpu.dma_semaphore, #tpu.memory_space<semaphore_mem>>
    %dma_start3A_16 = tpu.memref_squeeze %dma_start3A_15 : memref<1x!tpu.dma_semaphore, #tpu.memory_space<semaphore_mem>> -> memref<!tpu.dma_semaphore, #tpu.memory_space<semaphore_mem>>
    tpu.enqueue_indirect_dma source(%dma_start3A_14 : memref<100000x128xf32, #tpu.memory_space<hbm>>) target(%dma_start3A_8 : memref<64x128xf32, #tpu.memory_space<vmem>>) offsets(%dma_start3A_11 : memref<64xi32, #tpu.memory_space<vmem>>) semaphore(%dma_start3A_16 : memref<!tpu.dma_semaphore, #tpu.memory_space<semaphore_mem>>)
    %dma_start3A_17 = arith.constant 1 : i32
    %dma_start3A_18 = arith.constant 1 : i32
    %dma_start3A_19 = arith.constant 1 : i32
    %dma_start3A_20 = arith.constant 0 : i32
    %dma_start3A_21 = arith.constant 0 : i32
    %dma_start3A_22 = tpu.memref_slice %arg6[%dma_start3A_18, %dma_start3A_20, %dma_start3A_21] : memref<10x64x128xf32, #tpu.memory_space<vmem>> -> memref<1x64x128xf32, #tpu.memory_space<vmem>>
    %dma_start3A_23 = tpu.memref_squeeze %dma_start3A_22 : memref<1x64x128xf32, #tpu.memory_space<vmem>> -> memref<64x128xf32, #tpu.memory_space<vmem>>
    %dma_start3A_24 = arith.constant 0 : i32
    %dma_start3A_25 = tpu.memref_slice %arg5[%dma_start3A_17, %dma_start3A_24] : memref<100x64xi32, #tpu.memory_space<vmem>> -> memref<1x64xi32, #tpu.memory_space<vmem>>
    %dma_start3A_26 = tpu.memref_squeeze %dma_start3A_25 : memref<1x64xi32, #tpu.memory_space<vmem>> -> memref<64xi32, #tpu.memory_space<vmem>>
    %dma_start3A_27 = arith.constant 0 : i32
    %dma_start3A_28 = arith.constant 0 : i32
    %dma_start3A_29 = tpu.memref_slice %arg2[%dma_start3A_27, %dma_start3A_28] : memref<100000x128xf32, #tpu.memory_space<hbm>> -> memref<100000x128xf32, #tpu.memory_space<hbm>>
    %dma_start3A_30 = tpu.memref_slice %arg7[%dma_start3A_19] : memref<10x!tpu.dma_semaphore, #tpu.memory_space<semaphore_mem>> -> memref<1x!tpu.dma_semaphore, #tpu.memory_space<semaphore_mem>>
    %dma_start3A_31 = tpu.memref_squeeze %dma_start3A_30 : memref<1x!tpu.dma_semaphore, #tpu.memory_space<semaphore_mem>> -> memref<!tpu.dma_semaphore, #tpu.memory_space<semaphore_mem>>
    tpu.enqueue_indirect_dma source(%dma_start3A_29 : memref<100000x128xf32, #tpu.memory_space<hbm>>) target(%dma_start3A_23 : memref<64x128xf32, #tpu.memory_space<vmem>>) offsets(%dma_start3A_26 : memref<64xi32, #tpu.memory_space<vmem>>) semaphore(%dma_start3A_31 : memref<!tpu.dma_semaphore, #tpu.memory_space<semaphore_mem>>)
    %dma_start3A_32 = arith.constant 2 : i32
    %dma_start3A_33 = arith.constant 2 : i32
    %dma_start3A_34 = arith.constant 2 : i32
    %dma_start3A_35 = arith.constant 0 : i32
    %dma_start3A_36 = arith.constant 0 : i32
    %dma_start3A_37 = tpu.memref_slice %arg6[%dma_start3A_33, %dma_start3A_35, %dma_start3A_36] : memref<10x64x128xf32, #tpu.memory_space<vmem>> -> memref<1x64x128xf32, #tpu.memory_space<vmem>>
    %dma_start3A_38 = tpu.memref_squeeze %dma_start3A_37 : memref<1x64x128xf32, #tpu.memory_space<vmem>> -> memref<64x128xf32, #tpu.memory_space<vmem>>
    %dma_start3A_39 = arith.constant 0 : i32
    %dma_start3A_40 = tpu.memref_slice %arg5[%dma_start3A_32, %dma_start3A_39] : memref<100x64xi32, #tpu.memory_space<vmem>> -> memref<1x64xi32, #tpu.memory_space<vmem>>
    %dma_start3A_41 = tpu.memref_squeeze %dma_start3A_40 : memref<1x64xi32, #tpu.memory_space<vmem>> -> memref<64xi32, #tpu.memory_space<vmem>>
    %dma_start3A_42 = arith.constant 0 : i32
    %dma_start3A_43 = arith.constant 0 : i32
    %dma_start3A_44 = tpu.memref_slice %arg2[%dma_start3A_42, %dma_start3A_43] : memref<100000x128xf32, #tpu.memory_space<hbm>> -> memref<100000x128xf32, #tpu.memory_space<hbm>>
    %dma_start3A_45 = tpu.memref_slice %arg7[%dma_start3A_34] : memref<10x!tpu.dma_semaphore, #tpu.memory_space<semaphore_mem>> -> memref<1x!tpu.dma_semaphore, #tpu.memory_space<semaphore_mem>>
    %dma_start3A_46 = tpu.memref_squeeze %dma_start3A_45 : memref<1x!tpu.dma_semaphore, #tpu.memory_space<semaphore_mem>> -> memref<!tpu.dma_semaphore, #tpu.memory_space<semaphore_mem>>
    tpu.enqueue_indirect_dma source(%dma_start3A_44 : memref<100000x128xf32, #tpu.memory_space<hbm>>) target(%dma_start3A_38 : memref<64x128xf32, #tpu.memory_space<vmem>>) offsets(%dma_start3A_41 : memref<64xi32, #tpu.memory_space<vmem>>) semaphore(%dma_start3A_46 : memref<!tpu.dma_semaphore, #tpu.memory_space<semaphore_mem>>)
    %dma_start3A_47 = arith.constant 3 : i32
    %dma_start3A_48 = arith.constant 3 : i32
    %dma_start3A_49 = arith.constant 3 : i32
    %dma_start3A_50 = arith.constant 0 : i32
    %dma_start3A_51 = arith.constant 0 : i32
    %dma_start3A_52 = tpu.memref_slice %arg6[%dma_start3A_48, %dma_start3A_50, %dma_start3A_51] : memref<10x64x128xf32, #tpu.memory_space<vmem>> -> memref<1x64x128xf32, #tpu.memory_space<vmem>>
    %dma_start3A_53 = tpu.memref_squeeze %dma_start3A_52 : memref<1x64x128xf32, #tpu.memory_space<vmem>> -> memref<64x128xf32, #tpu.memory_space<vmem>>
    %dma_start3A_54 = arith.constant 0 : i32
    %dma_start3A_55 = tpu.memref_slice %arg5[%dma_start3A_47, %dma_start3A_54] : memref<100x64xi32, #tpu.memory_space<vmem>> -> memref<1x64xi32, #tpu.memory_space<vmem>>
    %dma_start3A_56 = tpu.memref_squeeze %dma_start3A_55 : memref<1x64xi32, #tpu.memory_space<vmem>> -> memref<64xi32, #tpu.memory_space<vmem>>
    %dma_start3A_57 = arith.constant 0 : i32
    %dma_start3A_58 = arith.constant 0 : i32
    %dma_start3A_59 = tpu.memref_slice %arg2[%dma_start3A_57, %dma_start3A_58] : memref<100000x128xf32, #tpu.memory_space<hbm>> -> memref<100000x128xf32, #tpu.memory_space<hbm>>
    %dma_start3A_60 = tpu.memref_slice %arg7[%dma_start3A_49] : memref<10x!tpu.dma_semaphore, #tpu.memory_space<semaphore_mem>> -> memref<1x!tpu.dma_semaphore, #tpu.memory_space<semaphore_mem>>
    %dma_start3A_61 = tpu.memref_squeeze %dma_start3A_60 : memref<1x!tpu.dma_semaphore, #tpu.memory_space<semaphore_mem>> -> memref<!tpu.dma_semaphore, #tpu.memory_space<semaphore_mem>>
    tpu.enqueue_indirect_dma source(%dma_start3A_59 : memref<100000x128xf32, #tpu.memory_space<hbm>>) target(%dma_start3A_53 : memref<64x128xf32, #tpu.memory_space<vmem>>) offsets(%dma_start3A_56 : memref<64xi32, #tpu.memory_space<vmem>>) semaphore(%dma_start3A_61 : memref<!tpu.dma_semaphore, #tpu.memory_space<semaphore_mem>>)
    %dma_start3A_62 = arith.constant 4 : i32
    %dma_start3A_63 = arith.constant 4 : i32
    %dma_start3A_64 = arith.constant 4 : i32
    %dma_start3A_65 = arith.constant 0 : i32
    %dma_start3A_66 = arith.constant 0 : i32
    %dma_start3A_67 = tpu.memref_slice %arg6[%dma_start3A_63, %dma_start3A_65, %dma_start3A_66] : memref<10x64x128xf32, #tpu.memory_space<vmem>> -> memref<1x64x128xf32, #tpu.memory_space<vmem>>
    %dma_start3A_68 = tpu.memref_squeeze %dma_start3A_67 : memref<1x64x128xf32, #tpu.memory_space<vmem>> -> memref<64x128xf32, #tpu.memory_space<vmem>>
    %dma_start3A_69 = arith.constant 0 : i32
    %dma_start3A_70 = tpu.memref_slice %arg5[%dma_start3A_62, %dma_start3A_69] : memref<100x64xi32, #tpu.memory_space<vmem>> -> memref<1x64xi32, #tpu.memory_space<vmem>>
    %dma_start3A_71 = tpu.memref_squeeze %dma_start3A_70 : memref<1x64xi32, #tpu.memory_space<vmem>> -> memref<64xi32, #tpu.memory_space<vmem>>
    %dma_start3A_72 = arith.constant 0 : i32
    %dma_start3A_73 = arith.constant 0 : i32
    %dma_start3A_74 = tpu.memref_slice %arg2[%dma_start3A_72, %dma_start3A_73] : memref<100000x128xf32, #tpu.memory_space<hbm>> -> memref<100000x128xf32, #tpu.memory_space<hbm>>
    %dma_start3A_75 = tpu.memref_slice %arg7[%dma_start3A_64] : memref<10x!tpu.dma_semaphore, #tpu.memory_space<semaphore_mem>> -> memref<1x!tpu.dma_semaphore, #tpu.memory_space<semaphore_mem>>
    %dma_start3A_76 = tpu.memref_squeeze %dma_start3A_75 : memref<1x!tpu.dma_semaphore, #tpu.memory_space<semaphore_mem>> -> memref<!tpu.dma_semaphore, #tpu.memory_space<semaphore_mem>>
    tpu.enqueue_indirect_dma source(%dma_start3A_74 : memref<100000x128xf32, #tpu.memory_space<hbm>>) target(%dma_start3A_68 : memref<64x128xf32, #tpu.memory_space<vmem>>) offsets(%dma_start3A_71 : memref<64xi32, #tpu.memory_space<vmem>>) semaphore(%dma_start3A_76 : memref<!tpu.dma_semaphore, #tpu.memory_space<semaphore_mem>>)
    %dma_start3A_77 = arith.constant 5 : i32
    %dma_start3A_78 = arith.constant 5 : i32
    %dma_start3A_79 = arith.constant 5 : i32
    %dma_start3A_80 = arith.constant 0 : i32
    %dma_start3A_81 = arith.constant 0 : i32
    %dma_start3A_82 = tpu.memref_slice %arg6[%dma_start3A_78, %dma_start3A_80, %dma_start3A_81] : memref<10x64x128xf32, #tpu.memory_space<vmem>> -> memref<1x64x128xf32, #tpu.memory_space<vmem>>
    %dma_start3A_83 = tpu.memref_squeeze %dma_start3A_82 : memref<1x64x128xf32, #tpu.memory_space<vmem>> -> memref<64x128xf32, #tpu.memory_space<vmem>>
    %dma_start3A_84 = arith.constant 0 : i32
    %dma_start3A_85 = tpu.memref_slice %arg5[%dma_start3A_77, %dma_start3A_84] : memref<100x64xi32, #tpu.memory_space<vmem>> -> memref<1x64xi32, #tpu.memory_space<vmem>>
    %dma_start3A_86 = tpu.memref_squeeze %dma_start3A_85 : memref<1x64xi32, #tpu.memory_space<vmem>> -> memref<64xi32, #tpu.memory_space<vmem>>
    %dma_start3A_87 = arith.constant 0 : i32
    %dma_start3A_88 = arith.constant 0 : i32
    %dma_start3A_89 = tpu.memref_slice %arg2[%dma_start3A_87, %dma_start3A_88] : memref<100000x128xf32, #tpu.memory_space<hbm>> -> memref<100000x128xf32, #tpu.memory_space<hbm>>
    %dma_start3A_90 = tpu.memref_slice %arg7[%dma_start3A_79] : memref<10x!tpu.dma_semaphore, #tpu.memory_space<semaphore_mem>> -> memref<1x!tpu.dma_semaphore, #tpu.memory_space<semaphore_mem>>
    %dma_start3A_91 = tpu.memref_squeeze %dma_start3A_90 : memref<1x!tpu.dma_semaphore, #tpu.memory_space<semaphore_mem>> -> memref<!tpu.dma_semaphore, #tpu.memory_space<semaphore_mem>>
    tpu.enqueue_indirect_dma source(%dma_start3A_89 : memref<100000x128xf32, #tpu.memory_space<hbm>>) target(%dma_start3A_83 : memref<64x128xf32, #tpu.memory_space<vmem>>) offsets(%dma_start3A_86 : memref<64xi32, #tpu.memory_space<vmem>>) semaphore(%dma_start3A_91 : memref<!tpu.dma_semaphore, #tpu.memory_space<semaphore_mem>>)
    %dma_start3A_92 = arith.constant 6 : i32
    %dma_start3A_93 = arith.constant 6 : i32
    %dma_start3A_94 = arith.constant 6 : i32
    %dma_start3A_95 = arith.constant 0 : i32
    %dma_start3A_96 = arith.constant 0 : i32
    %dma_start3A_97 = tpu.memref_slice %arg6[%dma_start3A_93, %dma_start3A_95, %dma_start3A_96] : memref<10x64x128xf32, #tpu.memory_space<vmem>> -> memref<1x64x128xf32, #tpu.memory_space<vmem>>
    %dma_start3A_98 = tpu.memref_squeeze %dma_start3A_97 : memref<1x64x128xf32, #tpu.memory_space<vmem>> -> memref<64x128xf32, #tpu.memory_space<vmem>>
    %dma_start3A_99 = arith.constant 0 : i32
    %dma_start3A_100 = tpu.memref_slice %arg5[%dma_start3A_92, %dma_start3A_99] : memref<100x64xi32, #tpu.memory_space<vmem>> -> memref<1x64xi32, #tpu.memory_space<vmem>>
    %dma_start3A_101 = tpu.memref_squeeze %dma_start3A_100 : memref<1x64xi32, #tpu.memory_space<vmem>> -> memref<64xi32, #tpu.memory_space<vmem>>
    %dma_start3A_102 = arith.constant 0 : i32
    %dma_start3A_103 = arith.constant 0 : i32
    %dma_start3A_104 = tpu.memref_slice %arg2[%dma_start3A_102, %dma_start3A_103] : memref<100000x128xf32, #tpu.memory_space<hbm>> -> memref<100000x128xf32, #tpu.memory_space<hbm>>
    %dma_start3A_105 = tpu.memref_slice %arg7[%dma_start3A_94] : memref<10x!tpu.dma_semaphore, #tpu.memory_space<semaphore_mem>> -> memref<1x!tpu.dma_semaphore, #tpu.memory_space<semaphore_mem>>
    %dma_start3A_106 = tpu.memref_squeeze %dma_start3A_105 : memref<1x!tpu.dma_semaphore, #tpu.memory_space<semaphore_mem>> -> memref<!tpu.dma_semaphore, #tpu.memory_space<semaphore_mem>>
    tpu.enqueue_indirect_dma source(%dma_start3A_104 : memref<100000x128xf32, #tpu.memory_space<hbm>>) target(%dma_start3A_98 : memref<64x128xf32, #tpu.memory_space<vmem>>) offsets(%dma_start3A_101 : memref<64xi32, #tpu.memory_space<vmem>>) semaphore(%dma_start3A_106 : memref<!tpu.dma_semaphore, #tpu.memory_space<semaphore_mem>>)
    %dma_start3A_107 = arith.constant 7 : i32
    %dma_start3A_108 = arith.constant 7 : i32
    %dma_start3A_109 = arith.constant 7 : i32
    %dma_start3A_110 = arith.constant 0 : i32
    %dma_start3A_111 = arith.constant 0 : i32
    %dma_start3A_112 = tpu.memref_slice %arg6[%dma_start3A_108, %dma_start3A_110, %dma_start3A_111] : memref<10x64x128xf32, #tpu.memory_space<vmem>> -> memref<1x64x128xf32, #tpu.memory_space<vmem>>
    %dma_start3A_113 = tpu.memref_squeeze %dma_start3A_112 : memref<1x64x128xf32, #tpu.memory_space<vmem>> -> memref<64x128xf32, #tpu.memory_space<vmem>>
    %dma_start3A_114 = arith.constant 0 : i32
    %dma_start3A_115 = tpu.memref_slice %arg5[%dma_start3A_107, %dma_start3A_114] : memref<100x64xi32, #tpu.memory_space<vmem>> -> memref<1x64xi32, #tpu.memory_space<vmem>>
    %dma_start3A_116 = tpu.memref_squeeze %dma_start3A_115 : memref<1x64xi32, #tpu.memory_space<vmem>> -> memref<64xi32, #tpu.memory_space<vmem>>
    %dma_start3A_117 = arith.constant 0 : i32
    %dma_start3A_118 = arith.constant 0 : i32
    %dma_start3A_119 = tpu.memref_slice %arg2[%dma_start3A_117, %dma_start3A_118] : memref<100000x128xf32, #tpu.memory_space<hbm>> -> memref<100000x128xf32, #tpu.memory_space<hbm>>
    %dma_start3A_120 = tpu.memref_slice %arg7[%dma_start3A_109] : memref<10x!tpu.dma_semaphore, #tpu.memory_space<semaphore_mem>> -> memref<1x!tpu.dma_semaphore, #tpu.memory_space<semaphore_mem>>
    %dma_start3A_121 = tpu.memref_squeeze %dma_start3A_120 : memref<1x!tpu.dma_semaphore, #tpu.memory_space<semaphore_mem>> -> memref<!tpu.dma_semaphore, #tpu.memory_space<semaphore_mem>>
    tpu.enqueue_indirect_dma source(%dma_start3A_119 : memref<100000x128xf32, #tpu.memory_space<hbm>>) target(%dma_start3A_113 : memref<64x128xf32, #tpu.memory_space<vmem>>) offsets(%dma_start3A_116 : memref<64xi32, #tpu.memory_space<vmem>>) semaphore(%dma_start3A_121 : memref<!tpu.dma_semaphore, #tpu.memory_space<semaphore_mem>>)
    %dma_start3A_122 = arith.constant 8 : i32
    %dma_start3A_123 = arith.constant 8 : i32
    %dma_start3A_124 = arith.constant 8 : i32
    %dma_start3A_125 = arith.constant 0 : i32
    %dma_start3A_126 = arith.constant 0 : i32
    %dma_start3A_127 = tpu.memref_slice %arg6[%dma_start3A_123, %dma_start3A_125, %dma_start3A_126] : memref<10x64x128xf32, #tpu.memory_space<vmem>> -> memref<1x64x128xf32, #tpu.memory_space<vmem>>
    %dma_start3A_128 = tpu.memref_squeeze %dma_start3A_127 : memref<1x64x128xf32, #tpu.memory_space<vmem>> -> memref<64x128xf32, #tpu.memory_space<vmem>>
    %dma_start3A_129 = arith.constant 0 : i32
    %dma_start3A_130 = tpu.memref_slice %arg5[%dma_start3A_122, %dma_start3A_129] : memref<100x64xi32, #tpu.memory_space<vmem>> -> memref<1x64xi32, #tpu.memory_space<vmem>>
    %dma_start3A_131 = tpu.memref_squeeze %dma_start3A_130 : memref<1x64xi32, #tpu.memory_space<vmem>> -> memref<64xi32, #tpu.memory_space<vmem>>
    %dma_start3A_132 = arith.constant 0 : i32
    %dma_start3A_133 = arith.constant 0 : i32
    %dma_start3A_134 = tpu.memref_slice %arg2[%dma_start3A_132, %dma_start3A_133] : memref<100000x128xf32, #tpu.memory_space<hbm>> -> memref<100000x128xf32, #tpu.memory_space<hbm>>
    %dma_start3A_135 = tpu.memref_slice %arg7[%dma_start3A_124] : memref<10x!tpu.dma_semaphore, #tpu.memory_space<semaphore_mem>> -> memref<1x!tpu.dma_semaphore, #tpu.memory_space<semaphore_mem>>
    %dma_start3A_136 = tpu.memref_squeeze %dma_start3A_135 : memref<1x!tpu.dma_semaphore, #tpu.memory_space<semaphore_mem>> -> memref<!tpu.dma_semaphore, #tpu.memory_space<semaphore_mem>>
    tpu.enqueue_indirect_dma source(%dma_start3A_134 : memref<100000x128xf32, #tpu.memory_space<hbm>>) target(%dma_start3A_128 : memref<64x128xf32, #tpu.memory_space<vmem>>) offsets(%dma_start3A_131 : memref<64xi32, #tpu.memory_space<vmem>>) semaphore(%dma_start3A_136 : memref<!tpu.dma_semaphore, #tpu.memory_space<semaphore_mem>>)
    %dma_start3A_137 = arith.constant 9 : i32
    %dma_start3A_138 = arith.constant 9 : i32
    %dma_start3A_139 = arith.constant 9 : i32
    %dma_start3A_140 = arith.constant 0 : i32
    %dma_start3A_141 = arith.constant 0 : i32
    %dma_start3A_142 = tpu.memref_slice %arg6[%dma_start3A_138, %dma_start3A_140, %dma_start3A_141] : memref<10x64x128xf32, #tpu.memory_space<vmem>> -> memref<1x64x128xf32, #tpu.memory_space<vmem>>
    %dma_start3A_143 = tpu.memref_squeeze %dma_start3A_142 : memref<1x64x128xf32, #tpu.memory_space<vmem>> -> memref<64x128xf32, #tpu.memory_space<vmem>>
    %dma_start3A_144 = arith.constant 0 : i32
    %dma_start3A_145 = tpu.memref_slice %arg5[%dma_start3A_137, %dma_start3A_144] : memref<100x64xi32, #tpu.memory_space<vmem>> -> memref<1x64xi32, #tpu.memory_space<vmem>>
    %dma_start3A_146 = tpu.memref_squeeze %dma_start3A_145 : memref<1x64xi32, #tpu.memory_space<vmem>> -> memref<64xi32, #tpu.memory_space<vmem>>
    %dma_start3A_147 = arith.constant 0 : i32
    %dma_start3A_148 = arith.constant 0 : i32
    %dma_start3A_149 = tpu.memref_slice %arg2[%dma_start3A_147, %dma_start3A_148] : memref<100000x128xf32, #tpu.memory_space<hbm>> -> memref<100000x128xf32, #tpu.memory_space<hbm>>
    %dma_start3A_150 = tpu.memref_slice %arg7[%dma_start3A_139] : memref<10x!tpu.dma_semaphore, #tpu.memory_space<semaphore_mem>> -> memref<1x!tpu.dma_semaphore, #tpu.memory_space<semaphore_mem>>
    %dma_start3A_151 = tpu.memref_squeeze %dma_start3A_150 : memref<1x!tpu.dma_semaphore, #tpu.memory_space<semaphore_mem>> -> memref<!tpu.dma_semaphore, #tpu.memory_space<semaphore_mem>>
    tpu.enqueue_indirect_dma source(%dma_start3A_149 : memref<100000x128xf32, #tpu.memory_space<hbm>>) target(%dma_start3A_143 : memref<64x128xf32, #tpu.memory_space<vmem>>) offsets(%dma_start3A_146 : memref<64xi32, #tpu.memory_space<vmem>>) semaphore(%dma_start3A_151 : memref<!tpu.dma_semaphore, #tpu.memory_space<semaphore_mem>>)
    %scan3A = arith.constant 0 : i32
    %scan3A_152 = arith.constant 0 : i32
    %scan3A_153 = arith.constant 10 : i32
    %scan3A_154 = arith.addi %scan3A_152, %scan3A_153 : i32
    %scan3A_155 = arith.constant 1 : i32
    scf.for %scan3A_157 = %scan3A_152 to %scan3A_154 step %scan3A_155  : i32 {
      %mul3A_158 = arith.constant 10 : i32
      %mul3A_159 = arith.muli %scan3A_157, %mul3A_158 : i32
      %add3A_160 = arith.constant 0 : i32
      %add3A_161 = arith.addi %mul3A_159, %add3A_160 : i32
      %dma_wait3A = arith.constant 0 : i32
      %dma_wait3A_162 = arith.constant 0 : i32
      %dma_wait3A_163 = arith.constant 0 : i32
      %dma_wait3A_164 = arith.constant 0 : i32
      %dma_wait3A_165 = arith.constant 0 : i32
      %dma_wait3A_166 = tpu.memref_slice %arg6[%dma_wait3A_162, %dma_wait3A_164, %dma_wait3A_165] : memref<10x64x128xf32, #tpu.memory_space<vmem>> -> memref<1x64x128xf32, #tpu.memory_space<vmem>>
      %dma_wait3A_167 = tpu.memref_squeeze %dma_wait3A_166 : memref<1x64x128xf32, #tpu.memory_space<vmem>> -> memref<64x128xf32, #tpu.memory_space<vmem>>
      %dma_wait3A_168 = arith.constant 0 : i32
      %dma_wait3A_169 = tpu.memref_slice %arg5[%dma_wait3A, %dma_wait3A_168] : memref<100x64xi32, #tpu.memory_space<vmem>> -> memref<1x64xi32, #tpu.memory_space<vmem>>
      %dma_wait3A_170 = tpu.memref_squeeze %dma_wait3A_169 : memref<1x64xi32, #tpu.memory_space<vmem>> -> memref<64xi32, #tpu.memory_space<vmem>>
      %dma_wait3A_171 = arith.constant 0 : i32
      %dma_wait3A_172 = arith.constant 0 : i32
      %dma_wait3A_173 = tpu.memref_slice %arg2[%dma_wait3A_171, %dma_wait3A_172] : memref<100000x128xf32, #tpu.memory_space<hbm>> -> memref<100000x128xf32, #tpu.memory_space<hbm>>
      %dma_wait3A_174 = tpu.memref_slice %arg7[%dma_wait3A_163] : memref<10x!tpu.dma_semaphore, #tpu.memory_space<semaphore_mem>> -> memref<1x!tpu.dma_semaphore, #tpu.memory_space<semaphore_mem>>
      %dma_wait3A_175 = tpu.memref_squeeze %dma_wait3A_174 : memref<1x!tpu.dma_semaphore, #tpu.memory_space<semaphore_mem>> -> memref<!tpu.dma_semaphore, #tpu.memory_space<semaphore_mem>>
      tpu.wait_indirect_dma semaphore(%dma_wait3A_175 : memref<!tpu.dma_semaphore, #tpu.memory_space<semaphore_mem>>) src(%dma_wait3A_173 : memref<100000x128xf32, #tpu.memory_space<hbm>>) dst(%dma_wait3A_167 : memref<64x128xf32, #tpu.memory_space<vmem>>)
      %mul3A_176 = arith.constant 64 : i32
      %mul3A_177 = arith.muli %add3A_161, %mul3A_176 : i32
      %add3A_178 = arith.addi %mul3A_2, %mul3A_177 : i32
      %dma_start3A_179 = arith.constant 0 : i32
      %dma_start3A_180 = arith.constant 0 : i32
      %dma_start3A_181 = arith.constant 0 : i32
      %dma_start3A_182 = arith.constant 0 : i32
      %dma_start3A_183 = tpu.memref_slice %arg6[%dma_start3A_179, %dma_start3A_181, %dma_start3A_182] : memref<10x64x128xf32, #tpu.memory_space<vmem>> -> memref<1x64x128xf32, #tpu.memory_space<vmem>>
      %dma_start3A_184 = tpu.memref_squeeze %dma_start3A_183 : memref<1x64x128xf32, #tpu.memory_space<vmem>> -> memref<64x128xf32, #tpu.memory_space<vmem>>
      %dma_start3A_185 = arith.constant 0 : i32
      %dma_start3A_186 = tpu.memref_slice %arg4[%add3A_178, %dma_start3A_185] : memref<204800x128xf32, #tpu.memory_space<hbm>> -> memref<64x128xf32, #tpu.memory_space<hbm>>
      %dma_start3A_187 = tpu.memref_slice %arg8[%dma_start3A_180] : memref<10x!tpu.dma_semaphore, #tpu.memory_space<semaphore_mem>> -> memref<1x!tpu.dma_semaphore, #tpu.memory_space<semaphore_mem>>
      %dma_start3A_188 = tpu.memref_squeeze %dma_start3A_187 : memref<1x!tpu.dma_semaphore, #tpu.memory_space<semaphore_mem>> -> memref<!tpu.dma_semaphore, #tpu.memory_space<semaphore_mem>>
      %dma_start3A_189 = arith.constant 0 : i32
      %dma_start3A_190 = tpu.memref_slice %arg4[%add3A_178, %dma_start3A_189] : memref<204800x128xf32, #tpu.memory_space<hbm>> -> memref<64x128xf32, #tpu.memory_space<hbm>>
      %dma_start3A_191 = arith.constant 0 : i32
      %dma_start3A_192 = arith.constant 0 : i32
      %dma_start3A_193 = tpu.memref_slice %arg6[%dma_start3A_179, %dma_start3A_191, %dma_start3A_192] : memref<10x64x128xf32, #tpu.memory_space<vmem>> -> memref<1x64x128xf32, #tpu.memory_space<vmem>>
      %dma_start3A_194 = tpu.memref_squeeze %dma_start3A_193 : memref<1x64x128xf32, #tpu.memory_space<vmem>> -> memref<64x128xf32, #tpu.memory_space<vmem>>
      tpu.enqueue_dma source(%dma_start3A_194 : memref<64x128xf32, #tpu.memory_space<vmem>>) target(%dma_start3A_190 : memref<64x128xf32, #tpu.memory_space<hbm>>) target_semaphore(%dma_start3A_188 : memref<!tpu.dma_semaphore, #tpu.memory_space<semaphore_mem>>)
      %dma_wait3A_195 = arith.constant 0 : i32
      %dma_wait3A_196 = arith.constant 0 : i32
      %dma_wait3A_197 = arith.constant 0 : i32
      %dma_wait3A_198 = arith.constant 0 : i32
      %dma_wait3A_199 = tpu.memref_slice %arg6[%dma_wait3A_195, %dma_wait3A_197, %dma_wait3A_198] : memref<10x64x128xf32, #tpu.memory_space<vmem>> -> memref<1x64x128xf32, #tpu.memory_space<vmem>>
      %dma_wait3A_200 = tpu.memref_squeeze %dma_wait3A_199 : memref<1x64x128xf32, #tpu.memory_space<vmem>> -> memref<64x128xf32, #tpu.memory_space<vmem>>
      %dma_wait3A_201 = arith.constant 0 : i32
      %dma_wait3A_202 = tpu.memref_slice %arg4[%mul3A_2, %dma_wait3A_201] : memref<204800x128xf32, #tpu.memory_space<hbm>> -> memref<64x128xf32, #tpu.memory_space<hbm>>
      %dma_wait3A_203 = tpu.memref_slice %arg8[%dma_wait3A_196] : memref<10x!tpu.dma_semaphore, #tpu.memory_space<semaphore_mem>> -> memref<1x!tpu.dma_semaphore, #tpu.memory_space<semaphore_mem>>
      %dma_wait3A_204 = tpu.memref_squeeze %dma_wait3A_203 : memref<1x!tpu.dma_semaphore, #tpu.memory_space<semaphore_mem>> -> memref<!tpu.dma_semaphore, #tpu.memory_space<semaphore_mem>>
      %dma_wait3A_205 = arith.constant 0 : i32
      %dma_wait3A_206 = tpu.memref_slice %arg4[%mul3A_2, %dma_wait3A_205] : memref<204800x128xf32, #tpu.memory_space<hbm>> -> memref<64x128xf32, #tpu.memory_space<hbm>>
      %dma_wait3A_207 = arith.constant 0 : i32
      %dma_wait3A_208 = arith.constant 0 : i32
      %dma_wait3A_209 = tpu.memref_slice %arg6[%dma_wait3A_195, %dma_wait3A_207, %dma_wait3A_208] : memref<10x64x128xf32, #tpu.memory_space<vmem>> -> memref<1x64x128xf32, #tpu.memory_space<vmem>>
      %dma_wait3A_210 = tpu.memref_squeeze %dma_wait3A_209 : memref<1x64x128xf32, #tpu.memory_space<vmem>> -> memref<64x128xf32, #tpu.memory_space<vmem>>
      tpu.wait_dma2 semaphore(%dma_wait3A_204 : memref<!tpu.dma_semaphore, #tpu.memory_space<semaphore_mem>>) src(%dma_wait3A_210 : memref<64x128xf32, #tpu.memory_space<vmem>>) dst(%dma_wait3A_206 : memref<64x128xf32, #tpu.memory_space<hbm>>)
      %add3A_211 = arith.constant 10 : i32
      %add3A_212 = arith.addi %add3A_161, %add3A_211 : i32
      %lt3A = arith.constant 100 : i32
      %lt3A_213 = arith.cmpi slt, %add3A_212, %lt3A : i32
      %convert_element_type3A = arith.extui %lt3A_213 : i1 to i32
      %cond3A = arith.constant 0 : i32
      %cond3A_214 = arith.cmpi ne, %convert_element_type3A, %cond3A : i32
      scf.if %cond3A_214 {
        %dma_start3A_764 = arith.constant 0 : i32
        %dma_start3A_765 = arith.constant 0 : i32
        %dma_start3A_766 = arith.constant 0 : i32
        %dma_start3A_767 = arith.constant 0 : i32
        %dma_start3A_768 = tpu.memref_slice %arg6[%dma_start3A_764, %dma_start3A_766, %dma_start3A_767] : memref<10x64x128xf32, #tpu.memory_space<vmem>> -> memref<1x64x128xf32, #tpu.memory_space<vmem>>
        %dma_start3A_769 = tpu.memref_squeeze %dma_start3A_768 : memref<1x64x128xf32, #tpu.memory_space<vmem>> -> memref<64x128xf32, #tpu.memory_space<vmem>>
        %dma_start3A_770 = arith.constant 0 : i32
        %dma_start3A_771 = tpu.memref_slice %arg5[%add3A_212, %dma_start3A_770] : memref<100x64xi32, #tpu.memory_space<vmem>> -> memref<1x64xi32, #tpu.memory_space<vmem>>
        %dma_start3A_772 = tpu.memref_squeeze %dma_start3A_771 : memref<1x64xi32, #tpu.memory_space<vmem>> -> memref<64xi32, #tpu.memory_space<vmem>>
        %dma_start3A_773 = arith.constant 0 : i32
        %dma_start3A_774 = arith.constant 0 : i32
        %dma_start3A_775 = tpu.memref_slice %arg2[%dma_start3A_773, %dma_start3A_774] : memref<100000x128xf32, #tpu.memory_space<hbm>> -> memref<100000x128xf32, #tpu.memory_space<hbm>>
        %dma_start3A_776 = tpu.memref_slice %arg7[%dma_start3A_765] : memref<10x!tpu.dma_semaphore, #tpu.memory_space<semaphore_mem>> -> memref<1x!tpu.dma_semaphore, #tpu.memory_space<semaphore_mem>>
        %dma_start3A_777 = tpu.memref_squeeze %dma_start3A_776 : memref<1x!tpu.dma_semaphore, #tpu.memory_space<semaphore_mem>> -> memref<!tpu.dma_semaphore, #tpu.memory_space<semaphore_mem>>
        tpu.enqueue_indirect_dma source(%dma_start3A_775 : memref<100000x128xf32, #tpu.memory_space<hbm>>) target(%dma_start3A_769 : memref<64x128xf32, #tpu.memory_space<vmem>>) offsets(%dma_start3A_772 : memref<64xi32, #tpu.memory_space<vmem>>) semaphore(%dma_start3A_777 : memref<!tpu.dma_semaphore, #tpu.memory_space<semaphore_mem>>)
      } else {
      }
      %mul3A_215 = arith.constant 10 : i32
      %mul3A_216 = arith.muli %scan3A_157, %mul3A_215 : i32
      %add3A_217 = arith.constant 1 : i32
      %add3A_218 = arith.addi %mul3A_216, %add3A_217 : i32
      %dma_wait3A_219 = arith.constant 0 : i32
      %dma_wait3A_220 = arith.constant 1 : i32
      %dma_wait3A_221 = arith.constant 1 : i32
      %dma_wait3A_222 = arith.constant 0 : i32
      %dma_wait3A_223 = arith.constant 0 : i32
      %dma_wait3A_224 = tpu.memref_slice %arg6[%dma_wait3A_220, %dma_wait3A_222, %dma_wait3A_223] : memref<10x64x128xf32, #tpu.memory_space<vmem>> -> memref<1x64x128xf32, #tpu.memory_space<vmem>>
      %dma_wait3A_225 = tpu.memref_squeeze %dma_wait3A_224 : memref<1x64x128xf32, #tpu.memory_space<vmem>> -> memref<64x128xf32, #tpu.memory_space<vmem>>
      %dma_wait3A_226 = arith.constant 0 : i32
      %dma_wait3A_227 = tpu.memref_slice %arg5[%dma_wait3A_219, %dma_wait3A_226] : memref<100x64xi32, #tpu.memory_space<vmem>> -> memref<1x64xi32, #tpu.memory_space<vmem>>
      %dma_wait3A_228 = tpu.memref_squeeze %dma_wait3A_227 : memref<1x64xi32, #tpu.memory_space<vmem>> -> memref<64xi32, #tpu.memory_space<vmem>>
      %dma_wait3A_229 = arith.constant 0 : i32
      %dma_wait3A_230 = arith.constant 0 : i32
      %dma_wait3A_231 = tpu.memref_slice %arg2[%dma_wait3A_229, %dma_wait3A_230] : memref<100000x128xf32, #tpu.memory_space<hbm>> -> memref<100000x128xf32, #tpu.memory_space<hbm>>
      %dma_wait3A_232 = tpu.memref_slice %arg7[%dma_wait3A_221] : memref<10x!tpu.dma_semaphore, #tpu.memory_space<semaphore_mem>> -> memref<1x!tpu.dma_semaphore, #tpu.memory_space<semaphore_mem>>
      %dma_wait3A_233 = tpu.memref_squeeze %dma_wait3A_232 : memref<1x!tpu.dma_semaphore, #tpu.memory_space<semaphore_mem>> -> memref<!tpu.dma_semaphore, #tpu.memory_space<semaphore_mem>>
      tpu.wait_indirect_dma semaphore(%dma_wait3A_233 : memref<!tpu.dma_semaphore, #tpu.memory_space<semaphore_mem>>) src(%dma_wait3A_231 : memref<100000x128xf32, #tpu.memory_space<hbm>>) dst(%dma_wait3A_225 : memref<64x128xf32, #tpu.memory_space<vmem>>)
      %mul3A_234 = arith.constant 64 : i32
      %mul3A_235 = arith.muli %add3A_218, %mul3A_234 : i32
      %add3A_236 = arith.addi %mul3A_2, %mul3A_235 : i32
      %dma_start3A_237 = arith.constant 1 : i32
      %dma_start3A_238 = arith.constant 1 : i32
      %dma_start3A_239 = arith.constant 0 : i32
      %dma_start3A_240 = arith.constant 0 : i32
      %dma_start3A_241 = tpu.memref_slice %arg6[%dma_start3A_237, %dma_start3A_239, %dma_start3A_240] : memref<10x64x128xf32, #tpu.memory_space<vmem>> -> memref<1x64x128xf32, #tpu.memory_space<vmem>>
      %dma_start3A_242 = tpu.memref_squeeze %dma_start3A_241 : memref<1x64x128xf32, #tpu.memory_space<vmem>> -> memref<64x128xf32, #tpu.memory_space<vmem>>
      %dma_start3A_243 = arith.constant 0 : i32
      %dma_start3A_244 = tpu.memref_slice %arg4[%add3A_236, %dma_start3A_243] : memref<204800x128xf32, #tpu.memory_space<hbm>> -> memref<64x128xf32, #tpu.memory_space<hbm>>
      %dma_start3A_245 = tpu.memref_slice %arg8[%dma_start3A_238] : memref<10x!tpu.dma_semaphore, #tpu.memory_space<semaphore_mem>> -> memref<1x!tpu.dma_semaphore, #tpu.memory_space<semaphore_mem>>
      %dma_start3A_246 = tpu.memref_squeeze %dma_start3A_245 : memref<1x!tpu.dma_semaphore, #tpu.memory_space<semaphore_mem>> -> memref<!tpu.dma_semaphore, #tpu.memory_space<semaphore_mem>>
      %dma_start3A_247 = arith.constant 0 : i32
      %dma_start3A_248 = tpu.memref_slice %arg4[%add3A_236, %dma_start3A_247] : memref<204800x128xf32, #tpu.memory_space<hbm>> -> memref<64x128xf32, #tpu.memory_space<hbm>>
      %dma_start3A_249 = arith.constant 0 : i32
      %dma_start3A_250 = arith.constant 0 : i32
      %dma_start3A_251 = tpu.memref_slice %arg6[%dma_start3A_237, %dma_start3A_249, %dma_start3A_250] : memref<10x64x128xf32, #tpu.memory_space<vmem>> -> memref<1x64x128xf32, #tpu.memory_space<vmem>>
      %dma_start3A_252 = tpu.memref_squeeze %dma_start3A_251 : memref<1x64x128xf32, #tpu.memory_space<vmem>> -> memref<64x128xf32, #tpu.memory_space<vmem>>
      tpu.enqueue_dma source(%dma_start3A_252 : memref<64x128xf32, #tpu.memory_space<vmem>>) target(%dma_start3A_248 : memref<64x128xf32, #tpu.memory_space<hbm>>) target_semaphore(%dma_start3A_246 : memref<!tpu.dma_semaphore, #tpu.memory_space<semaphore_mem>>)
      %dma_wait3A_253 = arith.constant 1 : i32
      %dma_wait3A_254 = arith.constant 1 : i32
      %dma_wait3A_255 = arith.constant 0 : i32
      %dma_wait3A_256 = arith.constant 0 : i32
      %dma_wait3A_257 = tpu.memref_slice %arg6[%dma_wait3A_253, %dma_wait3A_255, %dma_wait3A_256] : memref<10x64x128xf32, #tpu.memory_space<vmem>> -> memref<1x64x128xf32, #tpu.memory_space<vmem>>
      %dma_wait3A_258 = tpu.memref_squeeze %dma_wait3A_257 : memref<1x64x128xf32, #tpu.memory_space<vmem>> -> memref<64x128xf32, #tpu.memory_space<vmem>>
      %dma_wait3A_259 = arith.constant 0 : i32
      %dma_wait3A_260 = tpu.memref_slice %arg4[%mul3A_2, %dma_wait3A_259] : memref<204800x128xf32, #tpu.memory_space<hbm>> -> memref<64x128xf32, #tpu.memory_space<hbm>>
      %dma_wait3A_261 = tpu.memref_slice %arg8[%dma_wait3A_254] : memref<10x!tpu.dma_semaphore, #tpu.memory_space<semaphore_mem>> -> memref<1x!tpu.dma_semaphore, #tpu.memory_space<semaphore_mem>>
      %dma_wait3A_262 = tpu.memref_squeeze %dma_wait3A_261 : memref<1x!tpu.dma_semaphore, #tpu.memory_space<semaphore_mem>> -> memref<!tpu.dma_semaphore, #tpu.memory_space<semaphore_mem>>
      %dma_wait3A_263 = arith.constant 0 : i32
      %dma_wait3A_264 = tpu.memref_slice %arg4[%mul3A_2, %dma_wait3A_263] : memref<204800x128xf32, #tpu.memory_space<hbm>> -> memref<64x128xf32, #tpu.memory_space<hbm>>
      %dma_wait3A_265 = arith.constant 0 : i32
      %dma_wait3A_266 = arith.constant 0 : i32
      %dma_wait3A_267 = tpu.memref_slice %arg6[%dma_wait3A_253, %dma_wait3A_265, %dma_wait3A_266] : memref<10x64x128xf32, #tpu.memory_space<vmem>> -> memref<1x64x128xf32, #tpu.memory_space<vmem>>
      %dma_wait3A_268 = tpu.memref_squeeze %dma_wait3A_267 : memref<1x64x128xf32, #tpu.memory_space<vmem>> -> memref<64x128xf32, #tpu.memory_space<vmem>>
      tpu.wait_dma2 semaphore(%dma_wait3A_262 : memref<!tpu.dma_semaphore, #tpu.memory_space<semaphore_mem>>) src(%dma_wait3A_268 : memref<64x128xf32, #tpu.memory_space<vmem>>) dst(%dma_wait3A_264 : memref<64x128xf32, #tpu.memory_space<hbm>>)
      %add3A_269 = arith.constant 10 : i32
      %add3A_270 = arith.addi %add3A_218, %add3A_269 : i32
      %lt3A_271 = arith.constant 100 : i32
      %lt3A_272 = arith.cmpi slt, %add3A_270, %lt3A_271 : i32
      %convert_element_type3A_273 = arith.extui %lt3A_272 : i1 to i32
      %cond3A_274 = arith.constant 0 : i32
      %cond3A_275 = arith.cmpi ne, %convert_element_type3A_273, %cond3A_274 : i32
      scf.if %cond3A_275 {
        %dma_start3A_764 = arith.constant 1 : i32
        %dma_start3A_765 = arith.constant 1 : i32
        %dma_start3A_766 = arith.constant 0 : i32
        %dma_start3A_767 = arith.constant 0 : i32
        %dma_start3A_768 = tpu.memref_slice %arg6[%dma_start3A_764, %dma_start3A_766, %dma_start3A_767] : memref<10x64x128xf32, #tpu.memory_space<vmem>> -> memref<1x64x128xf32, #tpu.memory_space<vmem>>
        %dma_start3A_769 = tpu.memref_squeeze %dma_start3A_768 : memref<1x64x128xf32, #tpu.memory_space<vmem>> -> memref<64x128xf32, #tpu.memory_space<vmem>>
        %dma_start3A_770 = arith.constant 0 : i32
        %dma_start3A_771 = tpu.memref_slice %arg5[%add3A_270, %dma_start3A_770] : memref<100x64xi32, #tpu.memory_space<vmem>> -> memref<1x64xi32, #tpu.memory_space<vmem>>
        %dma_start3A_772 = tpu.memref_squeeze %dma_start3A_771 : memref<1x64xi32, #tpu.memory_space<vmem>> -> memref<64xi32, #tpu.memory_space<vmem>>
        %dma_start3A_773 = arith.constant 0 : i32
        %dma_start3A_774 = arith.constant 0 : i32
        %dma_start3A_775 = tpu.memref_slice %arg2[%dma_start3A_773, %dma_start3A_774] : memref<100000x128xf32, #tpu.memory_space<hbm>> -> memref<100000x128xf32, #tpu.memory_space<hbm>>
        %dma_start3A_776 = tpu.memref_slice %arg7[%dma_start3A_765] : memref<10x!tpu.dma_semaphore, #tpu.memory_space<semaphore_mem>> -> memref<1x!tpu.dma_semaphore, #tpu.memory_space<semaphore_mem>>
        %dma_start3A_777 = tpu.memref_squeeze %dma_start3A_776 : memref<1x!tpu.dma_semaphore, #tpu.memory_space<semaphore_mem>> -> memref<!tpu.dma_semaphore, #tpu.memory_space<semaphore_mem>>
        tpu.enqueue_indirect_dma source(%dma_start3A_775 : memref<100000x128xf32, #tpu.memory_space<hbm>>) target(%dma_start3A_769 : memref<64x128xf32, #tpu.memory_space<vmem>>) offsets(%dma_start3A_772 : memref<64xi32, #tpu.memory_space<vmem>>) semaphore(%dma_start3A_777 : memref<!tpu.dma_semaphore, #tpu.memory_space<semaphore_mem>>)
      } else {
      }
      %mul3A_276 = arith.constant 10 : i32
      %mul3A_277 = arith.muli %scan3A_157, %mul3A_276 : i32
      %add3A_278 = arith.constant 2 : i32
      %add3A_279 = arith.addi %mul3A_277, %add3A_278 : i32
      %dma_wait3A_280 = arith.constant 0 : i32
      %dma_wait3A_281 = arith.constant 2 : i32
      %dma_wait3A_282 = arith.constant 2 : i32
      %dma_wait3A_283 = arith.constant 0 : i32
      %dma_wait3A_284 = arith.constant 0 : i32
      %dma_wait3A_285 = tpu.memref_slice %arg6[%dma_wait3A_281, %dma_wait3A_283, %dma_wait3A_284] : memref<10x64x128xf32, #tpu.memory_space<vmem>> -> memref<1x64x128xf32, #tpu.memory_space<vmem>>
      %dma_wait3A_286 = tpu.memref_squeeze %dma_wait3A_285 : memref<1x64x128xf32, #tpu.memory_space<vmem>> -> memref<64x128xf32, #tpu.memory_space<vmem>>
      %dma_wait3A_287 = arith.constant 0 : i32
      %dma_wait3A_288 = tpu.memref_slice %arg5[%dma_wait3A_280, %dma_wait3A_287] : memref<100x64xi32, #tpu.memory_space<vmem>> -> memref<1x64xi32, #tpu.memory_space<vmem>>
      %dma_wait3A_289 = tpu.memref_squeeze %dma_wait3A_288 : memref<1x64xi32, #tpu.memory_space<vmem>> -> memref<64xi32, #tpu.memory_space<vmem>>
      %dma_wait3A_290 = arith.constant 0 : i32
      %dma_wait3A_291 = arith.constant 0 : i32
      %dma_wait3A_292 = tpu.memref_slice %arg2[%dma_wait3A_290, %dma_wait3A_291] : memref<100000x128xf32, #tpu.memory_space<hbm>> -> memref<100000x128xf32, #tpu.memory_space<hbm>>
      %dma_wait3A_293 = tpu.memref_slice %arg7[%dma_wait3A_282] : memref<10x!tpu.dma_semaphore, #tpu.memory_space<semaphore_mem>> -> memref<1x!tpu.dma_semaphore, #tpu.memory_space<semaphore_mem>>
      %dma_wait3A_294 = tpu.memref_squeeze %dma_wait3A_293 : memref<1x!tpu.dma_semaphore, #tpu.memory_space<semaphore_mem>> -> memref<!tpu.dma_semaphore, #tpu.memory_space<semaphore_mem>>
      tpu.wait_indirect_dma semaphore(%dma_wait3A_294 : memref<!tpu.dma_semaphore, #tpu.memory_space<semaphore_mem>>) src(%dma_wait3A_292 : memref<100000x128xf32, #tpu.memory_space<hbm>>) dst(%dma_wait3A_286 : memref<64x128xf32, #tpu.memory_space<vmem>>)
      %mul3A_295 = arith.constant 64 : i32
      %mul3A_296 = arith.muli %add3A_279, %mul3A_295 : i32
      %add3A_297 = arith.addi %mul3A_2, %mul3A_296 : i32
      %dma_start3A_298 = arith.constant 2 : i32
      %dma_start3A_299 = arith.constant 2 : i32
      %dma_start3A_300 = arith.constant 0 : i32
      %dma_start3A_301 = arith.constant 0 : i32
      %dma_start3A_302 = tpu.memref_slice %arg6[%dma_start3A_298, %dma_start3A_300, %dma_start3A_301] : memref<10x64x128xf32, #tpu.memory_space<vmem>> -> memref<1x64x128xf32, #tpu.memory_space<vmem>>
      %dma_start3A_303 = tpu.memref_squeeze %dma_start3A_302 : memref<1x64x128xf32, #tpu.memory_space<vmem>> -> memref<64x128xf32, #tpu.memory_space<vmem>>
      %dma_start3A_304 = arith.constant 0 : i32
      %dma_start3A_305 = tpu.memref_slice %arg4[%add3A_297, %dma_start3A_304] : memref<204800x128xf32, #tpu.memory_space<hbm>> -> memref<64x128xf32, #tpu.memory_space<hbm>>
      %dma_start3A_306 = tpu.memref_slice %arg8[%dma_start3A_299] : memref<10x!tpu.dma_semaphore, #tpu.memory_space<semaphore_mem>> -> memref<1x!tpu.dma_semaphore, #tpu.memory_space<semaphore_mem>>
      %dma_start3A_307 = tpu.memref_squeeze %dma_start3A_306 : memref<1x!tpu.dma_semaphore, #tpu.memory_space<semaphore_mem>> -> memref<!tpu.dma_semaphore, #tpu.memory_space<semaphore_mem>>
      %dma_start3A_308 = arith.constant 0 : i32
      %dma_start3A_309 = tpu.memref_slice %arg4[%add3A_297, %dma_start3A_308] : memref<204800x128xf32, #tpu.memory_space<hbm>> -> memref<64x128xf32, #tpu.memory_space<hbm>>
      %dma_start3A_310 = arith.constant 0 : i32
      %dma_start3A_311 = arith.constant 0 : i32
      %dma_start3A_312 = tpu.memref_slice %arg6[%dma_start3A_298, %dma_start3A_310, %dma_start3A_311] : memref<10x64x128xf32, #tpu.memory_space<vmem>> -> memref<1x64x128xf32, #tpu.memory_space<vmem>>
      %dma_start3A_313 = tpu.memref_squeeze %dma_start3A_312 : memref<1x64x128xf32, #tpu.memory_space<vmem>> -> memref<64x128xf32, #tpu.memory_space<vmem>>
      tpu.enqueue_dma source(%dma_start3A_313 : memref<64x128xf32, #tpu.memory_space<vmem>>) target(%dma_start3A_309 : memref<64x128xf32, #tpu.memory_space<hbm>>) target_semaphore(%dma_start3A_307 : memref<!tpu.dma_semaphore, #tpu.memory_space<semaphore_mem>>)
      %dma_wait3A_314 = arith.constant 2 : i32
      %dma_wait3A_315 = arith.constant 2 : i32
      %dma_wait3A_316 = arith.constant 0 : i32
      %dma_wait3A_317 = arith.constant 0 : i32
      %dma_wait3A_318 = tpu.memref_slice %arg6[%dma_wait3A_314, %dma_wait3A_316, %dma_wait3A_317] : memref<10x64x128xf32, #tpu.memory_space<vmem>> -> memref<1x64x128xf32, #tpu.memory_space<vmem>>
      %dma_wait3A_319 = tpu.memref_squeeze %dma_wait3A_318 : memref<1x64x128xf32, #tpu.memory_space<vmem>> -> memref<64x128xf32, #tpu.memory_space<vmem>>
      %dma_wait3A_320 = arith.constant 0 : i32
      %dma_wait3A_321 = tpu.memref_slice %arg4[%mul3A_2, %dma_wait3A_320] : memref<204800x128xf32, #tpu.memory_space<hbm>> -> memref<64x128xf32, #tpu.memory_space<hbm>>
      %dma_wait3A_322 = tpu.memref_slice %arg8[%dma_wait3A_315] : memref<10x!tpu.dma_semaphore, #tpu.memory_space<semaphore_mem>> -> memref<1x!tpu.dma_semaphore, #tpu.memory_space<semaphore_mem>>
      %dma_wait3A_323 = tpu.memref_squeeze %dma_wait3A_322 : memref<1x!tpu.dma_semaphore, #tpu.memory_space<semaphore_mem>> -> memref<!tpu.dma_semaphore, #tpu.memory_space<semaphore_mem>>
      %dma_wait3A_324 = arith.constant 0 : i32
      %dma_wait3A_325 = tpu.memref_slice %arg4[%mul3A_2, %dma_wait3A_324] : memref<204800x128xf32, #tpu.memory_space<hbm>> -> memref<64x128xf32, #tpu.memory_space<hbm>>
      %dma_wait3A_326 = arith.constant 0 : i32
      %dma_wait3A_327 = arith.constant 0 : i32
      %dma_wait3A_328 = tpu.memref_slice %arg6[%dma_wait3A_314, %dma_wait3A_326, %dma_wait3A_327] : memref<10x64x128xf32, #tpu.memory_space<vmem>> -> memref<1x64x128xf32, #tpu.memory_space<vmem>>
      %dma_wait3A_329 = tpu.memref_squeeze %dma_wait3A_328 : memref<1x64x128xf32, #tpu.memory_space<vmem>> -> memref<64x128xf32, #tpu.memory_space<vmem>>
      tpu.wait_dma2 semaphore(%dma_wait3A_323 : memref<!tpu.dma_semaphore, #tpu.memory_space<semaphore_mem>>) src(%dma_wait3A_329 : memref<64x128xf32, #tpu.memory_space<vmem>>) dst(%dma_wait3A_325 : memref<64x128xf32, #tpu.memory_space<hbm>>)
      %add3A_330 = arith.constant 10 : i32
      %add3A_331 = arith.addi %add3A_279, %add3A_330 : i32
      %lt3A_332 = arith.constant 100 : i32
      %lt3A_333 = arith.cmpi slt, %add3A_331, %lt3A_332 : i32
      %convert_element_type3A_334 = arith.extui %lt3A_333 : i1 to i32
      %cond3A_335 = arith.constant 0 : i32
      %cond3A_336 = arith.cmpi ne, %convert_element_type3A_334, %cond3A_335 : i32
      scf.if %cond3A_336 {
        %dma_start3A_764 = arith.constant 2 : i32
        %dma_start3A_765 = arith.constant 2 : i32
        %dma_start3A_766 = arith.constant 0 : i32
        %dma_start3A_767 = arith.constant 0 : i32
        %dma_start3A_768 = tpu.memref_slice %arg6[%dma_start3A_764, %dma_start3A_766, %dma_start3A_767] : memref<10x64x128xf32, #tpu.memory_space<vmem>> -> memref<1x64x128xf32, #tpu.memory_space<vmem>>
        %dma_start3A_769 = tpu.memref_squeeze %dma_start3A_768 : memref<1x64x128xf32, #tpu.memory_space<vmem>> -> memref<64x128xf32, #tpu.memory_space<vmem>>
        %dma_start3A_770 = arith.constant 0 : i32
        %dma_start3A_771 = tpu.memref_slice %arg5[%add3A_331, %dma_start3A_770] : memref<100x64xi32, #tpu.memory_space<vmem>> -> memref<1x64xi32, #tpu.memory_space<vmem>>
        %dma_start3A_772 = tpu.memref_squeeze %dma_start3A_771 : memref<1x64xi32, #tpu.memory_space<vmem>> -> memref<64xi32, #tpu.memory_space<vmem>>
        %dma_start3A_773 = arith.constant 0 : i32
        %dma_start3A_774 = arith.constant 0 : i32
        %dma_start3A_775 = tpu.memref_slice %arg2[%dma_start3A_773, %dma_start3A_774] : memref<100000x128xf32, #tpu.memory_space<hbm>> -> memref<100000x128xf32, #tpu.memory_space<hbm>>
        %dma_start3A_776 = tpu.memref_slice %arg7[%dma_start3A_765] : memref<10x!tpu.dma_semaphore, #tpu.memory_space<semaphore_mem>> -> memref<1x!tpu.dma_semaphore, #tpu.memory_space<semaphore_mem>>
        %dma_start3A_777 = tpu.memref_squeeze %dma_start3A_776 : memref<1x!tpu.dma_semaphore, #tpu.memory_space<semaphore_mem>> -> memref<!tpu.dma_semaphore, #tpu.memory_space<semaphore_mem>>
        tpu.enqueue_indirect_dma source(%dma_start3A_775 : memref<100000x128xf32, #tpu.memory_space<hbm>>) target(%dma_start3A_769 : memref<64x128xf32, #tpu.memory_space<vmem>>) offsets(%dma_start3A_772 : memref<64xi32, #tpu.memory_space<vmem>>) semaphore(%dma_start3A_777 : memref<!tpu.dma_semaphore, #tpu.memory_space<semaphore_mem>>)
      } else {
      }
      %mul3A_337 = arith.constant 10 : i32
      %mul3A_338 = arith.muli %scan3A_157, %mul3A_337 : i32
      %add3A_339 = arith.constant 3 : i32
      %add3A_340 = arith.addi %mul3A_338, %add3A_339 : i32
      %dma_wait3A_341 = arith.constant 0 : i32
      %dma_wait3A_342 = arith.constant 3 : i32
      %dma_wait3A_343 = arith.constant 3 : i32
      %dma_wait3A_344 = arith.constant 0 : i32
      %dma_wait3A_345 = arith.constant 0 : i32
      %dma_wait3A_346 = tpu.memref_slice %arg6[%dma_wait3A_342, %dma_wait3A_344, %dma_wait3A_345] : memref<10x64x128xf32, #tpu.memory_space<vmem>> -> memref<1x64x128xf32, #tpu.memory_space<vmem>>
      %dma_wait3A_347 = tpu.memref_squeeze %dma_wait3A_346 : memref<1x64x128xf32, #tpu.memory_space<vmem>> -> memref<64x128xf32, #tpu.memory_space<vmem>>
      %dma_wait3A_348 = arith.constant 0 : i32
      %dma_wait3A_349 = tpu.memref_slice %arg5[%dma_wait3A_341, %dma_wait3A_348] : memref<100x64xi32, #tpu.memory_space<vmem>> -> memref<1x64xi32, #tpu.memory_space<vmem>>
      %dma_wait3A_350 = tpu.memref_squeeze %dma_wait3A_349 : memref<1x64xi32, #tpu.memory_space<vmem>> -> memref<64xi32, #tpu.memory_space<vmem>>
      %dma_wait3A_351 = arith.constant 0 : i32
      %dma_wait3A_352 = arith.constant 0 : i32
      %dma_wait3A_353 = tpu.memref_slice %arg2[%dma_wait3A_351, %dma_wait3A_352] : memref<100000x128xf32, #tpu.memory_space<hbm>> -> memref<100000x128xf32, #tpu.memory_space<hbm>>
      %dma_wait3A_354 = tpu.memref_slice %arg7[%dma_wait3A_343] : memref<10x!tpu.dma_semaphore, #tpu.memory_space<semaphore_mem>> -> memref<1x!tpu.dma_semaphore, #tpu.memory_space<semaphore_mem>>
      %dma_wait3A_355 = tpu.memref_squeeze %dma_wait3A_354 : memref<1x!tpu.dma_semaphore, #tpu.memory_space<semaphore_mem>> -> memref<!tpu.dma_semaphore, #tpu.memory_space<semaphore_mem>>
      tpu.wait_indirect_dma semaphore(%dma_wait3A_355 : memref<!tpu.dma_semaphore, #tpu.memory_space<semaphore_mem>>) src(%dma_wait3A_353 : memref<100000x128xf32, #tpu.memory_space<hbm>>) dst(%dma_wait3A_347 : memref<64x128xf32, #tpu.memory_space<vmem>>)
      %mul3A_356 = arith.constant 64 : i32
      %mul3A_357 = arith.muli %add3A_340, %mul3A_356 : i32
      %add3A_358 = arith.addi %mul3A_2, %mul3A_357 : i32
      %dma_start3A_359 = arith.constant 3 : i32
      %dma_start3A_360 = arith.constant 3 : i32
      %dma_start3A_361 = arith.constant 0 : i32
      %dma_start3A_362 = arith.constant 0 : i32
      %dma_start3A_363 = tpu.memref_slice %arg6[%dma_start3A_359, %dma_start3A_361, %dma_start3A_362] : memref<10x64x128xf32, #tpu.memory_space<vmem>> -> memref<1x64x128xf32, #tpu.memory_space<vmem>>
      %dma_start3A_364 = tpu.memref_squeeze %dma_start3A_363 : memref<1x64x128xf32, #tpu.memory_space<vmem>> -> memref<64x128xf32, #tpu.memory_space<vmem>>
      %dma_start3A_365 = arith.constant 0 : i32
      %dma_start3A_366 = tpu.memref_slice %arg4[%add3A_358, %dma_start3A_365] : memref<204800x128xf32, #tpu.memory_space<hbm>> -> memref<64x128xf32, #tpu.memory_space<hbm>>
      %dma_start3A_367 = tpu.memref_slice %arg8[%dma_start3A_360] : memref<10x!tpu.dma_semaphore, #tpu.memory_space<semaphore_mem>> -> memref<1x!tpu.dma_semaphore, #tpu.memory_space<semaphore_mem>>
      %dma_start3A_368 = tpu.memref_squeeze %dma_start3A_367 : memref<1x!tpu.dma_semaphore, #tpu.memory_space<semaphore_mem>> -> memref<!tpu.dma_semaphore, #tpu.memory_space<semaphore_mem>>
      %dma_start3A_369 = arith.constant 0 : i32
      %dma_start3A_370 = tpu.memref_slice %arg4[%add3A_358, %dma_start3A_369] : memref<204800x128xf32, #tpu.memory_space<hbm>> -> memref<64x128xf32, #tpu.memory_space<hbm>>
      %dma_start3A_371 = arith.constant 0 : i32
      %dma_start3A_372 = arith.constant 0 : i32
      %dma_start3A_373 = tpu.memref_slice %arg6[%dma_start3A_359, %dma_start3A_371, %dma_start3A_372] : memref<10x64x128xf32, #tpu.memory_space<vmem>> -> memref<1x64x128xf32, #tpu.memory_space<vmem>>
      %dma_start3A_374 = tpu.memref_squeeze %dma_start3A_373 : memref<1x64x128xf32, #tpu.memory_space<vmem>> -> memref<64x128xf32, #tpu.memory_space<vmem>>
      tpu.enqueue_dma source(%dma_start3A_374 : memref<64x128xf32, #tpu.memory_space<vmem>>) target(%dma_start3A_370 : memref<64x128xf32, #tpu.memory_space<hbm>>) target_semaphore(%dma_start3A_368 : memref<!tpu.dma_semaphore, #tpu.memory_space<semaphore_mem>>)
      %dma_wait3A_375 = arith.constant 3 : i32
      %dma_wait3A_376 = arith.constant 3 : i32
      %dma_wait3A_377 = arith.constant 0 : i32
      %dma_wait3A_378 = arith.constant 0 : i32
      %dma_wait3A_379 = tpu.memref_slice %arg6[%dma_wait3A_375, %dma_wait3A_377, %dma_wait3A_378] : memref<10x64x128xf32, #tpu.memory_space<vmem>> -> memref<1x64x128xf32, #tpu.memory_space<vmem>>
      %dma_wait3A_380 = tpu.memref_squeeze %dma_wait3A_379 : memref<1x64x128xf32, #tpu.memory_space<vmem>> -> memref<64x128xf32, #tpu.memory_space<vmem>>
      %dma_wait3A_381 = arith.constant 0 : i32
      %dma_wait3A_382 = tpu.memref_slice %arg4[%mul3A_2, %dma_wait3A_381] : memref<204800x128xf32, #tpu.memory_space<hbm>> -> memref<64x128xf32, #tpu.memory_space<hbm>>
      %dma_wait3A_383 = tpu.memref_slice %arg8[%dma_wait3A_376] : memref<10x!tpu.dma_semaphore, #tpu.memory_space<semaphore_mem>> -> memref<1x!tpu.dma_semaphore, #tpu.memory_space<semaphore_mem>>
      %dma_wait3A_384 = tpu.memref_squeeze %dma_wait3A_383 : memref<1x!tpu.dma_semaphore, #tpu.memory_space<semaphore_mem>> -> memref<!tpu.dma_semaphore, #tpu.memory_space<semaphore_mem>>
      %dma_wait3A_385 = arith.constant 0 : i32
      %dma_wait3A_386 = tpu.memref_slice %arg4[%mul3A_2, %dma_wait3A_385] : memref<204800x128xf32, #tpu.memory_space<hbm>> -> memref<64x128xf32, #tpu.memory_space<hbm>>
      %dma_wait3A_387 = arith.constant 0 : i32
      %dma_wait3A_388 = arith.constant 0 : i32
      %dma_wait3A_389 = tpu.memref_slice %arg6[%dma_wait3A_375, %dma_wait3A_387, %dma_wait3A_388] : memref<10x64x128xf32, #tpu.memory_space<vmem>> -> memref<1x64x128xf32, #tpu.memory_space<vmem>>
      %dma_wait3A_390 = tpu.memref_squeeze %dma_wait3A_389 : memref<1x64x128xf32, #tpu.memory_space<vmem>> -> memref<64x128xf32, #tpu.memory_space<vmem>>
      tpu.wait_dma2 semaphore(%dma_wait3A_384 : memref<!tpu.dma_semaphore, #tpu.memory_space<semaphore_mem>>) src(%dma_wait3A_390 : memref<64x128xf32, #tpu.memory_space<vmem>>) dst(%dma_wait3A_386 : memref<64x128xf32, #tpu.memory_space<hbm>>)
      %add3A_391 = arith.constant 10 : i32
      %add3A_392 = arith.addi %add3A_340, %add3A_391 : i32
      %lt3A_393 = arith.constant 100 : i32
      %lt3A_394 = arith.cmpi slt, %add3A_392, %lt3A_393 : i32
      %convert_element_type3A_395 = arith.extui %lt3A_394 : i1 to i32
      %cond3A_396 = arith.constant 0 : i32
      %cond3A_397 = arith.cmpi ne, %convert_element_type3A_395, %cond3A_396 : i32
      scf.if %cond3A_397 {
        %dma_start3A_764 = arith.constant 3 : i32
        %dma_start3A_765 = arith.constant 3 : i32
        %dma_start3A_766 = arith.constant 0 : i32
        %dma_start3A_767 = arith.constant 0 : i32
        %dma_start3A_768 = tpu.memref_slice %arg6[%dma_start3A_764, %dma_start3A_766, %dma_start3A_767] : memref<10x64x128xf32, #tpu.memory_space<vmem>> -> memref<1x64x128xf32, #tpu.memory_space<vmem>>
        %dma_start3A_769 = tpu.memref_squeeze %dma_start3A_768 : memref<1x64x128xf32, #tpu.memory_space<vmem>> -> memref<64x128xf32, #tpu.memory_space<vmem>>
        %dma_start3A_770 = arith.constant 0 : i32
        %dma_start3A_771 = tpu.memref_slice %arg5[%add3A_392, %dma_start3A_770] : memref<100x64xi32, #tpu.memory_space<vmem>> -> memref<1x64xi32, #tpu.memory_space<vmem>>
        %dma_start3A_772 = tpu.memref_squeeze %dma_start3A_771 : memref<1x64xi32, #tpu.memory_space<vmem>> -> memref<64xi32, #tpu.memory_space<vmem>>
        %dma_start3A_773 = arith.constant 0 : i32
        %dma_start3A_774 = arith.constant 0 : i32
        %dma_start3A_775 = tpu.memref_slice %arg2[%dma_start3A_773, %dma_start3A_774] : memref<100000x128xf32, #tpu.memory_space<hbm>> -> memref<100000x128xf32, #tpu.memory_space<hbm>>
        %dma_start3A_776 = tpu.memref_slice %arg7[%dma_start3A_765] : memref<10x!tpu.dma_semaphore, #tpu.memory_space<semaphore_mem>> -> memref<1x!tpu.dma_semaphore, #tpu.memory_space<semaphore_mem>>
        %dma_start3A_777 = tpu.memref_squeeze %dma_start3A_776 : memref<1x!tpu.dma_semaphore, #tpu.memory_space<semaphore_mem>> -> memref<!tpu.dma_semaphore, #tpu.memory_space<semaphore_mem>>
        tpu.enqueue_indirect_dma source(%dma_start3A_775 : memref<100000x128xf32, #tpu.memory_space<hbm>>) target(%dma_start3A_769 : memref<64x128xf32, #tpu.memory_space<vmem>>) offsets(%dma_start3A_772 : memref<64xi32, #tpu.memory_space<vmem>>) semaphore(%dma_start3A_777 : memref<!tpu.dma_semaphore, #tpu.memory_space<semaphore_mem>>)
      } else {
      }
      %mul3A_398 = arith.constant 10 : i32
      %mul3A_399 = arith.muli %scan3A_157, %mul3A_398 : i32
      %add3A_400 = arith.constant 4 : i32
      %add3A_401 = arith.addi %mul3A_399, %add3A_400 : i32
      %dma_wait3A_402 = arith.constant 0 : i32
      %dma_wait3A_403 = arith.constant 4 : i32
      %dma_wait3A_404 = arith.constant 4 : i32
      %dma_wait3A_405 = arith.constant 0 : i32
      %dma_wait3A_406 = arith.constant 0 : i32
      %dma_wait3A_407 = tpu.memref_slice %arg6[%dma_wait3A_403, %dma_wait3A_405, %dma_wait3A_406] : memref<10x64x128xf32, #tpu.memory_space<vmem>> -> memref<1x64x128xf32, #tpu.memory_space<vmem>>
      %dma_wait3A_408 = tpu.memref_squeeze %dma_wait3A_407 : memref<1x64x128xf32, #tpu.memory_space<vmem>> -> memref<64x128xf32, #tpu.memory_space<vmem>>
      %dma_wait3A_409 = arith.constant 0 : i32
      %dma_wait3A_410 = tpu.memref_slice %arg5[%dma_wait3A_402, %dma_wait3A_409] : memref<100x64xi32, #tpu.memory_space<vmem>> -> memref<1x64xi32, #tpu.memory_space<vmem>>
      %dma_wait3A_411 = tpu.memref_squeeze %dma_wait3A_410 : memref<1x64xi32, #tpu.memory_space<vmem>> -> memref<64xi32, #tpu.memory_space<vmem>>
      %dma_wait3A_412 = arith.constant 0 : i32
      %dma_wait3A_413 = arith.constant 0 : i32
      %dma_wait3A_414 = tpu.memref_slice %arg2[%dma_wait3A_412, %dma_wait3A_413] : memref<100000x128xf32, #tpu.memory_space<hbm>> -> memref<100000x128xf32, #tpu.memory_space<hbm>>
      %dma_wait3A_415 = tpu.memref_slice %arg7[%dma_wait3A_404] : memref<10x!tpu.dma_semaphore, #tpu.memory_space<semaphore_mem>> -> memref<1x!tpu.dma_semaphore, #tpu.memory_space<semaphore_mem>>
      %dma_wait3A_416 = tpu.memref_squeeze %dma_wait3A_415 : memref<1x!tpu.dma_semaphore, #tpu.memory_space<semaphore_mem>> -> memref<!tpu.dma_semaphore, #tpu.memory_space<semaphore_mem>>
      tpu.wait_indirect_dma semaphore(%dma_wait3A_416 : memref<!tpu.dma_semaphore, #tpu.memory_space<semaphore_mem>>) src(%dma_wait3A_414 : memref<100000x128xf32, #tpu.memory_space<hbm>>) dst(%dma_wait3A_408 : memref<64x128xf32, #tpu.memory_space<vmem>>)
      %mul3A_417 = arith.constant 64 : i32
      %mul3A_418 = arith.muli %add3A_401, %mul3A_417 : i32
      %add3A_419 = arith.addi %mul3A_2, %mul3A_418 : i32
      %dma_start3A_420 = arith.constant 4 : i32
      %dma_start3A_421 = arith.constant 4 : i32
      %dma_start3A_422 = arith.constant 0 : i32
      %dma_start3A_423 = arith.constant 0 : i32
      %dma_start3A_424 = tpu.memref_slice %arg6[%dma_start3A_420, %dma_start3A_422, %dma_start3A_423] : memref<10x64x128xf32, #tpu.memory_space<vmem>> -> memref<1x64x128xf32, #tpu.memory_space<vmem>>
      %dma_start3A_425 = tpu.memref_squeeze %dma_start3A_424 : memref<1x64x128xf32, #tpu.memory_space<vmem>> -> memref<64x128xf32, #tpu.memory_space<vmem>>
      %dma_start3A_426 = arith.constant 0 : i32
      %dma_start3A_427 = tpu.memref_slice %arg4[%add3A_419, %dma_start3A_426] : memref<204800x128xf32, #tpu.memory_space<hbm>> -> memref<64x128xf32, #tpu.memory_space<hbm>>
      %dma_start3A_428 = tpu.memref_slice %arg8[%dma_start3A_421] : memref<10x!tpu.dma_semaphore, #tpu.memory_space<semaphore_mem>> -> memref<1x!tpu.dma_semaphore, #tpu.memory_space<semaphore_mem>>
      %dma_start3A_429 = tpu.memref_squeeze %dma_start3A_428 : memref<1x!tpu.dma_semaphore, #tpu.memory_space<semaphore_mem>> -> memref<!tpu.dma_semaphore, #tpu.memory_space<semaphore_mem>>
      %dma_start3A_430 = arith.constant 0 : i32
      %dma_start3A_431 = tpu.memref_slice %arg4[%add3A_419, %dma_start3A_430] : memref<204800x128xf32, #tpu.memory_space<hbm>> -> memref<64x128xf32, #tpu.memory_space<hbm>>
      %dma_start3A_432 = arith.constant 0 : i32
      %dma_start3A_433 = arith.constant 0 : i32
      %dma_start3A_434 = tpu.memref_slice %arg6[%dma_start3A_420, %dma_start3A_432, %dma_start3A_433] : memref<10x64x128xf32, #tpu.memory_space<vmem>> -> memref<1x64x128xf32, #tpu.memory_space<vmem>>
      %dma_start3A_435 = tpu.memref_squeeze %dma_start3A_434 : memref<1x64x128xf32, #tpu.memory_space<vmem>> -> memref<64x128xf32, #tpu.memory_space<vmem>>
      tpu.enqueue_dma source(%dma_start3A_435 : memref<64x128xf32, #tpu.memory_space<vmem>>) target(%dma_start3A_431 : memref<64x128xf32, #tpu.memory_space<hbm>>) target_semaphore(%dma_start3A_429 : memref<!tpu.dma_semaphore, #tpu.memory_space<semaphore_mem>>)
      %dma_wait3A_436 = arith.constant 4 : i32
      %dma_wait3A_437 = arith.constant 4 : i32
      %dma_wait3A_438 = arith.constant 0 : i32
      %dma_wait3A_439 = arith.constant 0 : i32
      %dma_wait3A_440 = tpu.memref_slice %arg6[%dma_wait3A_436, %dma_wait3A_438, %dma_wait3A_439] : memref<10x64x128xf32, #tpu.memory_space<vmem>> -> memref<1x64x128xf32, #tpu.memory_space<vmem>>
      %dma_wait3A_441 = tpu.memref_squeeze %dma_wait3A_440 : memref<1x64x128xf32, #tpu.memory_space<vmem>> -> memref<64x128xf32, #tpu.memory_space<vmem>>
      %dma_wait3A_442 = arith.constant 0 : i32
      %dma_wait3A_443 = tpu.memref_slice %arg4[%mul3A_2, %dma_wait3A_442] : memref<204800x128xf32, #tpu.memory_space<hbm>> -> memref<64x128xf32, #tpu.memory_space<hbm>>
      %dma_wait3A_444 = tpu.memref_slice %arg8[%dma_wait3A_437] : memref<10x!tpu.dma_semaphore, #tpu.memory_space<semaphore_mem>> -> memref<1x!tpu.dma_semaphore, #tpu.memory_space<semaphore_mem>>
      %dma_wait3A_445 = tpu.memref_squeeze %dma_wait3A_444 : memref<1x!tpu.dma_semaphore, #tpu.memory_space<semaphore_mem>> -> memref<!tpu.dma_semaphore, #tpu.memory_space<semaphore_mem>>
      %dma_wait3A_446 = arith.constant 0 : i32
      %dma_wait3A_447 = tpu.memref_slice %arg4[%mul3A_2, %dma_wait3A_446] : memref<204800x128xf32, #tpu.memory_space<hbm>> -> memref<64x128xf32, #tpu.memory_space<hbm>>
      %dma_wait3A_448 = arith.constant 0 : i32
      %dma_wait3A_449 = arith.constant 0 : i32
      %dma_wait3A_450 = tpu.memref_slice %arg6[%dma_wait3A_436, %dma_wait3A_448, %dma_wait3A_449] : memref<10x64x128xf32, #tpu.memory_space<vmem>> -> memref<1x64x128xf32, #tpu.memory_space<vmem>>
      %dma_wait3A_451 = tpu.memref_squeeze %dma_wait3A_450 : memref<1x64x128xf32, #tpu.memory_space<vmem>> -> memref<64x128xf32, #tpu.memory_space<vmem>>
      tpu.wait_dma2 semaphore(%dma_wait3A_445 : memref<!tpu.dma_semaphore, #tpu.memory_space<semaphore_mem>>) src(%dma_wait3A_451 : memref<64x128xf32, #tpu.memory_space<vmem>>) dst(%dma_wait3A_447 : memref<64x128xf32, #tpu.memory_space<hbm>>)
      %add3A_452 = arith.constant 10 : i32
      %add3A_453 = arith.addi %add3A_401, %add3A_452 : i32
      %lt3A_454 = arith.constant 100 : i32
      %lt3A_455 = arith.cmpi slt, %add3A_453, %lt3A_454 : i32
      %convert_element_type3A_456 = arith.extui %lt3A_455 : i1 to i32
      %cond3A_457 = arith.constant 0 : i32
      %cond3A_458 = arith.cmpi ne, %convert_element_type3A_456, %cond3A_457 : i32
      scf.if %cond3A_458 {
        %dma_start3A_764 = arith.constant 4 : i32
        %dma_start3A_765 = arith.constant 4 : i32
        %dma_start3A_766 = arith.constant 0 : i32
        %dma_start3A_767 = arith.constant 0 : i32
        %dma_start3A_768 = tpu.memref_slice %arg6[%dma_start3A_764, %dma_start3A_766, %dma_start3A_767] : memref<10x64x128xf32, #tpu.memory_space<vmem>> -> memref<1x64x128xf32, #tpu.memory_space<vmem>>
        %dma_start3A_769 = tpu.memref_squeeze %dma_start3A_768 : memref<1x64x128xf32, #tpu.memory_space<vmem>> -> memref<64x128xf32, #tpu.memory_space<vmem>>
        %dma_start3A_770 = arith.constant 0 : i32
        %dma_start3A_771 = tpu.memref_slice %arg5[%add3A_453, %dma_start3A_770] : memref<100x64xi32, #tpu.memory_space<vmem>> -> memref<1x64xi32, #tpu.memory_space<vmem>>
        %dma_start3A_772 = tpu.memref_squeeze %dma_start3A_771 : memref<1x64xi32, #tpu.memory_space<vmem>> -> memref<64xi32, #tpu.memory_space<vmem>>
        %dma_start3A_773 = arith.constant 0 : i32
        %dma_start3A_774 = arith.constant 0 : i32
        %dma_start3A_775 = tpu.memref_slice %arg2[%dma_start3A_773, %dma_start3A_774] : memref<100000x128xf32, #tpu.memory_space<hbm>> -> memref<100000x128xf32, #tpu.memory_space<hbm>>
        %dma_start3A_776 = tpu.memref_slice %arg7[%dma_start3A_765] : memref<10x!tpu.dma_semaphore, #tpu.memory_space<semaphore_mem>> -> memref<1x!tpu.dma_semaphore, #tpu.memory_space<semaphore_mem>>
        %dma_start3A_777 = tpu.memref_squeeze %dma_start3A_776 : memref<1x!tpu.dma_semaphore, #tpu.memory_space<semaphore_mem>> -> memref<!tpu.dma_semaphore, #tpu.memory_space<semaphore_mem>>
        tpu.enqueue_indirect_dma source(%dma_start3A_775 : memref<100000x128xf32, #tpu.memory_space<hbm>>) target(%dma_start3A_769 : memref<64x128xf32, #tpu.memory_space<vmem>>) offsets(%dma_start3A_772 : memref<64xi32, #tpu.memory_space<vmem>>) semaphore(%dma_start3A_777 : memref<!tpu.dma_semaphore, #tpu.memory_space<semaphore_mem>>)
      } else {
      }
      %mul3A_459 = arith.constant 10 : i32
      %mul3A_460 = arith.muli %scan3A_157, %mul3A_459 : i32
      %add3A_461 = arith.constant 5 : i32
      %add3A_462 = arith.addi %mul3A_460, %add3A_461 : i32
      %dma_wait3A_463 = arith.constant 0 : i32
      %dma_wait3A_464 = arith.constant 5 : i32
      %dma_wait3A_465 = arith.constant 5 : i32
      %dma_wait3A_466 = arith.constant 0 : i32
      %dma_wait3A_467 = arith.constant 0 : i32
      %dma_wait3A_468 = tpu.memref_slice %arg6[%dma_wait3A_464, %dma_wait3A_466, %dma_wait3A_467] : memref<10x64x128xf32, #tpu.memory_space<vmem>> -> memref<1x64x128xf32, #tpu.memory_space<vmem>>
      %dma_wait3A_469 = tpu.memref_squeeze %dma_wait3A_468 : memref<1x64x128xf32, #tpu.memory_space<vmem>> -> memref<64x128xf32, #tpu.memory_space<vmem>>
      %dma_wait3A_470 = arith.constant 0 : i32
      %dma_wait3A_471 = tpu.memref_slice %arg5[%dma_wait3A_463, %dma_wait3A_470] : memref<100x64xi32, #tpu.memory_space<vmem>> -> memref<1x64xi32, #tpu.memory_space<vmem>>
      %dma_wait3A_472 = tpu.memref_squeeze %dma_wait3A_471 : memref<1x64xi32, #tpu.memory_space<vmem>> -> memref<64xi32, #tpu.memory_space<vmem>>
      %dma_wait3A_473 = arith.constant 0 : i32
      %dma_wait3A_474 = arith.constant 0 : i32
      %dma_wait3A_475 = tpu.memref_slice %arg2[%dma_wait3A_473, %dma_wait3A_474] : memref<100000x128xf32, #tpu.memory_space<hbm>> -> memref<100000x128xf32, #tpu.memory_space<hbm>>
      %dma_wait3A_476 = tpu.memref_slice %arg7[%dma_wait3A_465] : memref<10x!tpu.dma_semaphore, #tpu.memory_space<semaphore_mem>> -> memref<1x!tpu.dma_semaphore, #tpu.memory_space<semaphore_mem>>
      %dma_wait3A_477 = tpu.memref_squeeze %dma_wait3A_476 : memref<1x!tpu.dma_semaphore, #tpu.memory_space<semaphore_mem>> -> memref<!tpu.dma_semaphore, #tpu.memory_space<semaphore_mem>>
      tpu.wait_indirect_dma semaphore(%dma_wait3A_477 : memref<!tpu.dma_semaphore, #tpu.memory_space<semaphore_mem>>) src(%dma_wait3A_475 : memref<100000x128xf32, #tpu.memory_space<hbm>>) dst(%dma_wait3A_469 : memref<64x128xf32, #tpu.memory_space<vmem>>)
      %mul3A_478 = arith.constant 64 : i32
      %mul3A_479 = arith.muli %add3A_462, %mul3A_478 : i32
      %add3A_480 = arith.addi %mul3A_2, %mul3A_479 : i32
      %dma_start3A_481 = arith.constant 5 : i32
      %dma_start3A_482 = arith.constant 5 : i32
      %dma_start3A_483 = arith.constant 0 : i32
      %dma_start3A_484 = arith.constant 0 : i32
      %dma_start3A_485 = tpu.memref_slice %arg6[%dma_start3A_481, %dma_start3A_483, %dma_start3A_484] : memref<10x64x128xf32, #tpu.memory_space<vmem>> -> memref<1x64x128xf32, #tpu.memory_space<vmem>>
      %dma_start3A_486 = tpu.memref_squeeze %dma_start3A_485 : memref<1x64x128xf32, #tpu.memory_space<vmem>> -> memref<64x128xf32, #tpu.memory_space<vmem>>
      %dma_start3A_487 = arith.constant 0 : i32
      %dma_start3A_488 = tpu.memref_slice %arg4[%add3A_480, %dma_start3A_487] : memref<204800x128xf32, #tpu.memory_space<hbm>> -> memref<64x128xf32, #tpu.memory_space<hbm>>
      %dma_start3A_489 = tpu.memref_slice %arg8[%dma_start3A_482] : memref<10x!tpu.dma_semaphore, #tpu.memory_space<semaphore_mem>> -> memref<1x!tpu.dma_semaphore, #tpu.memory_space<semaphore_mem>>
      %dma_start3A_490 = tpu.memref_squeeze %dma_start3A_489 : memref<1x!tpu.dma_semaphore, #tpu.memory_space<semaphore_mem>> -> memref<!tpu.dma_semaphore, #tpu.memory_space<semaphore_mem>>
      %dma_start3A_491 = arith.constant 0 : i32
      %dma_start3A_492 = tpu.memref_slice %arg4[%add3A_480, %dma_start3A_491] : memref<204800x128xf32, #tpu.memory_space<hbm>> -> memref<64x128xf32, #tpu.memory_space<hbm>>
      %dma_start3A_493 = arith.constant 0 : i32
      %dma_start3A_494 = arith.constant 0 : i32
      %dma_start3A_495 = tpu.memref_slice %arg6[%dma_start3A_481, %dma_start3A_493, %dma_start3A_494] : memref<10x64x128xf32, #tpu.memory_space<vmem>> -> memref<1x64x128xf32, #tpu.memory_space<vmem>>
      %dma_start3A_496 = tpu.memref_squeeze %dma_start3A_495 : memref<1x64x128xf32, #tpu.memory_space<vmem>> -> memref<64x128xf32, #tpu.memory_space<vmem>>
      tpu.enqueue_dma source(%dma_start3A_496 : memref<64x128xf32, #tpu.memory_space<vmem>>) target(%dma_start3A_492 : memref<64x128xf32, #tpu.memory_space<hbm>>) target_semaphore(%dma_start3A_490 : memref<!tpu.dma_semaphore, #tpu.memory_space<semaphore_mem>>)
      %dma_wait3A_497 = arith.constant 5 : i32
      %dma_wait3A_498 = arith.constant 5 : i32
      %dma_wait3A_499 = arith.constant 0 : i32
      %dma_wait3A_500 = arith.constant 0 : i32
      %dma_wait3A_501 = tpu.memref_slice %arg6[%dma_wait3A_497, %dma_wait3A_499, %dma_wait3A_500] : memref<10x64x128xf32, #tpu.memory_space<vmem>> -> memref<1x64x128xf32, #tpu.memory_space<vmem>>
      %dma_wait3A_502 = tpu.memref_squeeze %dma_wait3A_501 : memref<1x64x128xf32, #tpu.memory_space<vmem>> -> memref<64x128xf32, #tpu.memory_space<vmem>>
      %dma_wait3A_503 = arith.constant 0 : i32
      %dma_wait3A_504 = tpu.memref_slice %arg4[%mul3A_2, %dma_wait3A_503] : memref<204800x128xf32, #tpu.memory_space<hbm>> -> memref<64x128xf32, #tpu.memory_space<hbm>>
      %dma_wait3A_505 = tpu.memref_slice %arg8[%dma_wait3A_498] : memref<10x!tpu.dma_semaphore, #tpu.memory_space<semaphore_mem>> -> memref<1x!tpu.dma_semaphore, #tpu.memory_space<semaphore_mem>>
      %dma_wait3A_506 = tpu.memref_squeeze %dma_wait3A_505 : memref<1x!tpu.dma_semaphore, #tpu.memory_space<semaphore_mem>> -> memref<!tpu.dma_semaphore, #tpu.memory_space<semaphore_mem>>
      %dma_wait3A_507 = arith.constant 0 : i32
      %dma_wait3A_508 = tpu.memref_slice %arg4[%mul3A_2, %dma_wait3A_507] : memref<204800x128xf32, #tpu.memory_space<hbm>> -> memref<64x128xf32, #tpu.memory_space<hbm>>
      %dma_wait3A_509 = arith.constant 0 : i32
      %dma_wait3A_510 = arith.constant 0 : i32
      %dma_wait3A_511 = tpu.memref_slice %arg6[%dma_wait3A_497, %dma_wait3A_509, %dma_wait3A_510] : memref<10x64x128xf32, #tpu.memory_space<vmem>> -> memref<1x64x128xf32, #tpu.memory_space<vmem>>
      %dma_wait3A_512 = tpu.memref_squeeze %dma_wait3A_511 : memref<1x64x128xf32, #tpu.memory_space<vmem>> -> memref<64x128xf32, #tpu.memory_space<vmem>>
      tpu.wait_dma2 semaphore(%dma_wait3A_506 : memref<!tpu.dma_semaphore, #tpu.memory_space<semaphore_mem>>) src(%dma_wait3A_512 : memref<64x128xf32, #tpu.memory_space<vmem>>) dst(%dma_wait3A_508 : memref<64x128xf32, #tpu.memory_space<hbm>>)
      %add3A_513 = arith.constant 10 : i32
      %add3A_514 = arith.addi %add3A_462, %add3A_513 : i32
      %lt3A_515 = arith.constant 100 : i32
      %lt3A_516 = arith.cmpi slt, %add3A_514, %lt3A_515 : i32
      %convert_element_type3A_517 = arith.extui %lt3A_516 : i1 to i32
      %cond3A_518 = arith.constant 0 : i32
      %cond3A_519 = arith.cmpi ne, %convert_element_type3A_517, %cond3A_518 : i32
      scf.if %cond3A_519 {
        %dma_start3A_764 = arith.constant 5 : i32
        %dma_start3A_765 = arith.constant 5 : i32
        %dma_start3A_766 = arith.constant 0 : i32
        %dma_start3A_767 = arith.constant 0 : i32
        %dma_start3A_768 = tpu.memref_slice %arg6[%dma_start3A_764, %dma_start3A_766, %dma_start3A_767] : memref<10x64x128xf32, #tpu.memory_space<vmem>> -> memref<1x64x128xf32, #tpu.memory_space<vmem>>
        %dma_start3A_769 = tpu.memref_squeeze %dma_start3A_768 : memref<1x64x128xf32, #tpu.memory_space<vmem>> -> memref<64x128xf32, #tpu.memory_space<vmem>>
        %dma_start3A_770 = arith.constant 0 : i32
        %dma_start3A_771 = tpu.memref_slice %arg5[%add3A_514, %dma_start3A_770] : memref<100x64xi32, #tpu.memory_space<vmem>> -> memref<1x64xi32, #tpu.memory_space<vmem>>
        %dma_start3A_772 = tpu.memref_squeeze %dma_start3A_771 : memref<1x64xi32, #tpu.memory_space<vmem>> -> memref<64xi32, #tpu.memory_space<vmem>>
        %dma_start3A_773 = arith.constant 0 : i32
        %dma_start3A_774 = arith.constant 0 : i32
        %dma_start3A_775 = tpu.memref_slice %arg2[%dma_start3A_773, %dma_start3A_774] : memref<100000x128xf32, #tpu.memory_space<hbm>> -> memref<100000x128xf32, #tpu.memory_space<hbm>>
        %dma_start3A_776 = tpu.memref_slice %arg7[%dma_start3A_765] : memref<10x!tpu.dma_semaphore, #tpu.memory_space<semaphore_mem>> -> memref<1x!tpu.dma_semaphore, #tpu.memory_space<semaphore_mem>>
        %dma_start3A_777 = tpu.memref_squeeze %dma_start3A_776 : memref<1x!tpu.dma_semaphore, #tpu.memory_space<semaphore_mem>> -> memref<!tpu.dma_semaphore, #tpu.memory_space<semaphore_mem>>
        tpu.enqueue_indirect_dma source(%dma_start3A_775 : memref<100000x128xf32, #tpu.memory_space<hbm>>) target(%dma_start3A_769 : memref<64x128xf32, #tpu.memory_space<vmem>>) offsets(%dma_start3A_772 : memref<64xi32, #tpu.memory_space<vmem>>) semaphore(%dma_start3A_777 : memref<!tpu.dma_semaphore, #tpu.memory_space<semaphore_mem>>)
      } else {
      }
      %mul3A_520 = arith.constant 10 : i32
      %mul3A_521 = arith.muli %scan3A_157, %mul3A_520 : i32
      %add3A_522 = arith.constant 6 : i32
      %add3A_523 = arith.addi %mul3A_521, %add3A_522 : i32
      %dma_wait3A_524 = arith.constant 0 : i32
      %dma_wait3A_525 = arith.constant 6 : i32
      %dma_wait3A_526 = arith.constant 6 : i32
      %dma_wait3A_527 = arith.constant 0 : i32
      %dma_wait3A_528 = arith.constant 0 : i32
      %dma_wait3A_529 = tpu.memref_slice %arg6[%dma_wait3A_525, %dma_wait3A_527, %dma_wait3A_528] : memref<10x64x128xf32, #tpu.memory_space<vmem>> -> memref<1x64x128xf32, #tpu.memory_space<vmem>>
      %dma_wait3A_530 = tpu.memref_squeeze %dma_wait3A_529 : memref<1x64x128xf32, #tpu.memory_space<vmem>> -> memref<64x128xf32, #tpu.memory_space<vmem>>
      %dma_wait3A_531 = arith.constant 0 : i32
      %dma_wait3A_532 = tpu.memref_slice %arg5[%dma_wait3A_524, %dma_wait3A_531] : memref<100x64xi32, #tpu.memory_space<vmem>> -> memref<1x64xi32, #tpu.memory_space<vmem>>
      %dma_wait3A_533 = tpu.memref_squeeze %dma_wait3A_532 : memref<1x64xi32, #tpu.memory_space<vmem>> -> memref<64xi32, #tpu.memory_space<vmem>>
      %dma_wait3A_534 = arith.constant 0 : i32
      %dma_wait3A_535 = arith.constant 0 : i32
      %dma_wait3A_536 = tpu.memref_slice %arg2[%dma_wait3A_534, %dma_wait3A_535] : memref<100000x128xf32, #tpu.memory_space<hbm>> -> memref<100000x128xf32, #tpu.memory_space<hbm>>
      %dma_wait3A_537 = tpu.memref_slice %arg7[%dma_wait3A_526] : memref<10x!tpu.dma_semaphore, #tpu.memory_space<semaphore_mem>> -> memref<1x!tpu.dma_semaphore, #tpu.memory_space<semaphore_mem>>
      %dma_wait3A_538 = tpu.memref_squeeze %dma_wait3A_537 : memref<1x!tpu.dma_semaphore, #tpu.memory_space<semaphore_mem>> -> memref<!tpu.dma_semaphore, #tpu.memory_space<semaphore_mem>>
      tpu.wait_indirect_dma semaphore(%dma_wait3A_538 : memref<!tpu.dma_semaphore, #tpu.memory_space<semaphore_mem>>) src(%dma_wait3A_536 : memref<100000x128xf32, #tpu.memory_space<hbm>>) dst(%dma_wait3A_530 : memref<64x128xf32, #tpu.memory_space<vmem>>)
      %mul3A_539 = arith.constant 64 : i32
      %mul3A_540 = arith.muli %add3A_523, %mul3A_539 : i32
      %add3A_541 = arith.addi %mul3A_2, %mul3A_540 : i32
      %dma_start3A_542 = arith.constant 6 : i32
      %dma_start3A_543 = arith.constant 6 : i32
      %dma_start3A_544 = arith.constant 0 : i32
      %dma_start3A_545 = arith.constant 0 : i32
      %dma_start3A_546 = tpu.memref_slice %arg6[%dma_start3A_542, %dma_start3A_544, %dma_start3A_545] : memref<10x64x128xf32, #tpu.memory_space<vmem>> -> memref<1x64x128xf32, #tpu.memory_space<vmem>>
      %dma_start3A_547 = tpu.memref_squeeze %dma_start3A_546 : memref<1x64x128xf32, #tpu.memory_space<vmem>> -> memref<64x128xf32, #tpu.memory_space<vmem>>
      %dma_start3A_548 = arith.constant 0 : i32
      %dma_start3A_549 = tpu.memref_slice %arg4[%add3A_541, %dma_start3A_548] : memref<204800x128xf32, #tpu.memory_space<hbm>> -> memref<64x128xf32, #tpu.memory_space<hbm>>
      %dma_start3A_550 = tpu.memref_slice %arg8[%dma_start3A_543] : memref<10x!tpu.dma_semaphore, #tpu.memory_space<semaphore_mem>> -> memref<1x!tpu.dma_semaphore, #tpu.memory_space<semaphore_mem>>
      %dma_start3A_551 = tpu.memref_squeeze %dma_start3A_550 : memref<1x!tpu.dma_semaphore, #tpu.memory_space<semaphore_mem>> -> memref<!tpu.dma_semaphore, #tpu.memory_space<semaphore_mem>>
      %dma_start3A_552 = arith.constant 0 : i32
      %dma_start3A_553 = tpu.memref_slice %arg4[%add3A_541, %dma_start3A_552] : memref<204800x128xf32, #tpu.memory_space<hbm>> -> memref<64x128xf32, #tpu.memory_space<hbm>>
      %dma_start3A_554 = arith.constant 0 : i32
      %dma_start3A_555 = arith.constant 0 : i32
      %dma_start3A_556 = tpu.memref_slice %arg6[%dma_start3A_542, %dma_start3A_554, %dma_start3A_555] : memref<10x64x128xf32, #tpu.memory_space<vmem>> -> memref<1x64x128xf32, #tpu.memory_space<vmem>>
      %dma_start3A_557 = tpu.memref_squeeze %dma_start3A_556 : memref<1x64x128xf32, #tpu.memory_space<vmem>> -> memref<64x128xf32, #tpu.memory_space<vmem>>
      tpu.enqueue_dma source(%dma_start3A_557 : memref<64x128xf32, #tpu.memory_space<vmem>>) target(%dma_start3A_553 : memref<64x128xf32, #tpu.memory_space<hbm>>) target_semaphore(%dma_start3A_551 : memref<!tpu.dma_semaphore, #tpu.memory_space<semaphore_mem>>)
      %dma_wait3A_558 = arith.constant 6 : i32
      %dma_wait3A_559 = arith.constant 6 : i32
      %dma_wait3A_560 = arith.constant 0 : i32
      %dma_wait3A_561 = arith.constant 0 : i32
      %dma_wait3A_562 = tpu.memref_slice %arg6[%dma_wait3A_558, %dma_wait3A_560, %dma_wait3A_561] : memref<10x64x128xf32, #tpu.memory_space<vmem>> -> memref<1x64x128xf32, #tpu.memory_space<vmem>>
      %dma_wait3A_563 = tpu.memref_squeeze %dma_wait3A_562 : memref<1x64x128xf32, #tpu.memory_space<vmem>> -> memref<64x128xf32, #tpu.memory_space<vmem>>
      %dma_wait3A_564 = arith.constant 0 : i32
      %dma_wait3A_565 = tpu.memref_slice %arg4[%mul3A_2, %dma_wait3A_564] : memref<204800x128xf32, #tpu.memory_space<hbm>> -> memref<64x128xf32, #tpu.memory_space<hbm>>
      %dma_wait3A_566 = tpu.memref_slice %arg8[%dma_wait3A_559] : memref<10x!tpu.dma_semaphore, #tpu.memory_space<semaphore_mem>> -> memref<1x!tpu.dma_semaphore, #tpu.memory_space<semaphore_mem>>
      %dma_wait3A_567 = tpu.memref_squeeze %dma_wait3A_566 : memref<1x!tpu.dma_semaphore, #tpu.memory_space<semaphore_mem>> -> memref<!tpu.dma_semaphore, #tpu.memory_space<semaphore_mem>>
      %dma_wait3A_568 = arith.constant 0 : i32
      %dma_wait3A_569 = tpu.memref_slice %arg4[%mul3A_2, %dma_wait3A_568] : memref<204800x128xf32, #tpu.memory_space<hbm>> -> memref<64x128xf32, #tpu.memory_space<hbm>>
      %dma_wait3A_570 = arith.constant 0 : i32
      %dma_wait3A_571 = arith.constant 0 : i32
      %dma_wait3A_572 = tpu.memref_slice %arg6[%dma_wait3A_558, %dma_wait3A_570, %dma_wait3A_571] : memref<10x64x128xf32, #tpu.memory_space<vmem>> -> memref<1x64x128xf32, #tpu.memory_space<vmem>>
      %dma_wait3A_573 = tpu.memref_squeeze %dma_wait3A_572 : memref<1x64x128xf32, #tpu.memory_space<vmem>> -> memref<64x128xf32, #tpu.memory_space<vmem>>
      tpu.wait_dma2 semaphore(%dma_wait3A_567 : memref<!tpu.dma_semaphore, #tpu.memory_space<semaphore_mem>>) src(%dma_wait3A_573 : memref<64x128xf32, #tpu.memory_space<vmem>>) dst(%dma_wait3A_569 : memref<64x128xf32, #tpu.memory_space<hbm>>)
      %add3A_574 = arith.constant 10 : i32
      %add3A_575 = arith.addi %add3A_523, %add3A_574 : i32
      %lt3A_576 = arith.constant 100 : i32
      %lt3A_577 = arith.cmpi slt, %add3A_575, %lt3A_576 : i32
      %convert_element_type3A_578 = arith.extui %lt3A_577 : i1 to i32
      %cond3A_579 = arith.constant 0 : i32
      %cond3A_580 = arith.cmpi ne, %convert_element_type3A_578, %cond3A_579 : i32
      scf.if %cond3A_580 {
        %dma_start3A_764 = arith.constant 6 : i32
        %dma_start3A_765 = arith.constant 6 : i32
        %dma_start3A_766 = arith.constant 0 : i32
        %dma_start3A_767 = arith.constant 0 : i32
        %dma_start3A_768 = tpu.memref_slice %arg6[%dma_start3A_764, %dma_start3A_766, %dma_start3A_767] : memref<10x64x128xf32, #tpu.memory_space<vmem>> -> memref<1x64x128xf32, #tpu.memory_space<vmem>>
        %dma_start3A_769 = tpu.memref_squeeze %dma_start3A_768 : memref<1x64x128xf32, #tpu.memory_space<vmem>> -> memref<64x128xf32, #tpu.memory_space<vmem>>
        %dma_start3A_770 = arith.constant 0 : i32
        %dma_start3A_771 = tpu.memref_slice %arg5[%add3A_575, %dma_start3A_770] : memref<100x64xi32, #tpu.memory_space<vmem>> -> memref<1x64xi32, #tpu.memory_space<vmem>>
        %dma_start3A_772 = tpu.memref_squeeze %dma_start3A_771 : memref<1x64xi32, #tpu.memory_space<vmem>> -> memref<64xi32, #tpu.memory_space<vmem>>
        %dma_start3A_773 = arith.constant 0 : i32
        %dma_start3A_774 = arith.constant 0 : i32
        %dma_start3A_775 = tpu.memref_slice %arg2[%dma_start3A_773, %dma_start3A_774] : memref<100000x128xf32, #tpu.memory_space<hbm>> -> memref<100000x128xf32, #tpu.memory_space<hbm>>
        %dma_start3A_776 = tpu.memref_slice %arg7[%dma_start3A_765] : memref<10x!tpu.dma_semaphore, #tpu.memory_space<semaphore_mem>> -> memref<1x!tpu.dma_semaphore, #tpu.memory_space<semaphore_mem>>
        %dma_start3A_777 = tpu.memref_squeeze %dma_start3A_776 : memref<1x!tpu.dma_semaphore, #tpu.memory_space<semaphore_mem>> -> memref<!tpu.dma_semaphore, #tpu.memory_space<semaphore_mem>>
        tpu.enqueue_indirect_dma source(%dma_start3A_775 : memref<100000x128xf32, #tpu.memory_space<hbm>>) target(%dma_start3A_769 : memref<64x128xf32, #tpu.memory_space<vmem>>) offsets(%dma_start3A_772 : memref<64xi32, #tpu.memory_space<vmem>>) semaphore(%dma_start3A_777 : memref<!tpu.dma_semaphore, #tpu.memory_space<semaphore_mem>>)
      } else {
      }
      %mul3A_581 = arith.constant 10 : i32
      %mul3A_582 = arith.muli %scan3A_157, %mul3A_581 : i32
      %add3A_583 = arith.constant 7 : i32
      %add3A_584 = arith.addi %mul3A_582, %add3A_583 : i32
      %dma_wait3A_585 = arith.constant 0 : i32
      %dma_wait3A_586 = arith.constant 7 : i32
      %dma_wait3A_587 = arith.constant 7 : i32
      %dma_wait3A_588 = arith.constant 0 : i32
      %dma_wait3A_589 = arith.constant 0 : i32
      %dma_wait3A_590 = tpu.memref_slice %arg6[%dma_wait3A_586, %dma_wait3A_588, %dma_wait3A_589] : memref<10x64x128xf32, #tpu.memory_space<vmem>> -> memref<1x64x128xf32, #tpu.memory_space<vmem>>
      %dma_wait3A_591 = tpu.memref_squeeze %dma_wait3A_590 : memref<1x64x128xf32, #tpu.memory_space<vmem>> -> memref<64x128xf32, #tpu.memory_space<vmem>>
      %dma_wait3A_592 = arith.constant 0 : i32
      %dma_wait3A_593 = tpu.memref_slice %arg5[%dma_wait3A_585, %dma_wait3A_592] : memref<100x64xi32, #tpu.memory_space<vmem>> -> memref<1x64xi32, #tpu.memory_space<vmem>>
      %dma_wait3A_594 = tpu.memref_squeeze %dma_wait3A_593 : memref<1x64xi32, #tpu.memory_space<vmem>> -> memref<64xi32, #tpu.memory_space<vmem>>
      %dma_wait3A_595 = arith.constant 0 : i32
      %dma_wait3A_596 = arith.constant 0 : i32
      %dma_wait3A_597 = tpu.memref_slice %arg2[%dma_wait3A_595, %dma_wait3A_596] : memref<100000x128xf32, #tpu.memory_space<hbm>> -> memref<100000x128xf32, #tpu.memory_space<hbm>>
      %dma_wait3A_598 = tpu.memref_slice %arg7[%dma_wait3A_587] : memref<10x!tpu.dma_semaphore, #tpu.memory_space<semaphore_mem>> -> memref<1x!tpu.dma_semaphore, #tpu.memory_space<semaphore_mem>>
      %dma_wait3A_599 = tpu.memref_squeeze %dma_wait3A_598 : memref<1x!tpu.dma_semaphore, #tpu.memory_space<semaphore_mem>> -> memref<!tpu.dma_semaphore, #tpu.memory_space<semaphore_mem>>
      tpu.wait_indirect_dma semaphore(%dma_wait3A_599 : memref<!tpu.dma_semaphore, #tpu.memory_space<semaphore_mem>>) src(%dma_wait3A_597 : memref<100000x128xf32, #tpu.memory_space<hbm>>) dst(%dma_wait3A_591 : memref<64x128xf32, #tpu.memory_space<vmem>>)
      %mul3A_600 = arith.constant 64 : i32
      %mul3A_601 = arith.muli %add3A_584, %mul3A_600 : i32
      %add3A_602 = arith.addi %mul3A_2, %mul3A_601 : i32
      %dma_start3A_603 = arith.constant 7 : i32
      %dma_start3A_604 = arith.constant 7 : i32
      %dma_start3A_605 = arith.constant 0 : i32
      %dma_start3A_606 = arith.constant 0 : i32
      %dma_start3A_607 = tpu.memref_slice %arg6[%dma_start3A_603, %dma_start3A_605, %dma_start3A_606] : memref<10x64x128xf32, #tpu.memory_space<vmem>> -> memref<1x64x128xf32, #tpu.memory_space<vmem>>
      %dma_start3A_608 = tpu.memref_squeeze %dma_start3A_607 : memref<1x64x128xf32, #tpu.memory_space<vmem>> -> memref<64x128xf32, #tpu.memory_space<vmem>>
      %dma_start3A_609 = arith.constant 0 : i32
      %dma_start3A_610 = tpu.memref_slice %arg4[%add3A_602, %dma_start3A_609] : memref<204800x128xf32, #tpu.memory_space<hbm>> -> memref<64x128xf32, #tpu.memory_space<hbm>>
      %dma_start3A_611 = tpu.memref_slice %arg8[%dma_start3A_604] : memref<10x!tpu.dma_semaphore, #tpu.memory_space<semaphore_mem>> -> memref<1x!tpu.dma_semaphore, #tpu.memory_space<semaphore_mem>>
      %dma_start3A_612 = tpu.memref_squeeze %dma_start3A_611 : memref<1x!tpu.dma_semaphore, #tpu.memory_space<semaphore_mem>> -> memref<!tpu.dma_semaphore, #tpu.memory_space<semaphore_mem>>
      %dma_start3A_613 = arith.constant 0 : i32
      %dma_start3A_614 = tpu.memref_slice %arg4[%add3A_602, %dma_start3A_613] : memref<204800x128xf32, #tpu.memory_space<hbm>> -> memref<64x128xf32, #tpu.memory_space<hbm>>
      %dma_start3A_615 = arith.constant 0 : i32
      %dma_start3A_616 = arith.constant 0 : i32
      %dma_start3A_617 = tpu.memref_slice %arg6[%dma_start3A_603, %dma_start3A_615, %dma_start3A_616] : memref<10x64x128xf32, #tpu.memory_space<vmem>> -> memref<1x64x128xf32, #tpu.memory_space<vmem>>
      %dma_start3A_618 = tpu.memref_squeeze %dma_start3A_617 : memref<1x64x128xf32, #tpu.memory_space<vmem>> -> memref<64x128xf32, #tpu.memory_space<vmem>>
      tpu.enqueue_dma source(%dma_start3A_618 : memref<64x128xf32, #tpu.memory_space<vmem>>) target(%dma_start3A_614 : memref<64x128xf32, #tpu.memory_space<hbm>>) target_semaphore(%dma_start3A_612 : memref<!tpu.dma_semaphore, #tpu.memory_space<semaphore_mem>>)
      %dma_wait3A_619 = arith.constant 7 : i32
      %dma_wait3A_620 = arith.constant 7 : i32
      %dma_wait3A_621 = arith.constant 0 : i32
      %dma_wait3A_622 = arith.constant 0 : i32
      %dma_wait3A_623 = tpu.memref_slice %arg6[%dma_wait3A_619, %dma_wait3A_621, %dma_wait3A_622] : memref<10x64x128xf32, #tpu.memory_space<vmem>> -> memref<1x64x128xf32, #tpu.memory_space<vmem>>
      %dma_wait3A_624 = tpu.memref_squeeze %dma_wait3A_623 : memref<1x64x128xf32, #tpu.memory_space<vmem>> -> memref<64x128xf32, #tpu.memory_space<vmem>>
      %dma_wait3A_625 = arith.constant 0 : i32
      %dma_wait3A_626 = tpu.memref_slice %arg4[%mul3A_2, %dma_wait3A_625] : memref<204800x128xf32, #tpu.memory_space<hbm>> -> memref<64x128xf32, #tpu.memory_space<hbm>>
      %dma_wait3A_627 = tpu.memref_slice %arg8[%dma_wait3A_620] : memref<10x!tpu.dma_semaphore, #tpu.memory_space<semaphore_mem>> -> memref<1x!tpu.dma_semaphore, #tpu.memory_space<semaphore_mem>>
      %dma_wait3A_628 = tpu.memref_squeeze %dma_wait3A_627 : memref<1x!tpu.dma_semaphore, #tpu.memory_space<semaphore_mem>> -> memref<!tpu.dma_semaphore, #tpu.memory_space<semaphore_mem>>
      %dma_wait3A_629 = arith.constant 0 : i32
      %dma_wait3A_630 = tpu.memref_slice %arg4[%mul3A_2, %dma_wait3A_629] : memref<204800x128xf32, #tpu.memory_space<hbm>> -> memref<64x128xf32, #tpu.memory_space<hbm>>
      %dma_wait3A_631 = arith.constant 0 : i32
      %dma_wait3A_632 = arith.constant 0 : i32
      %dma_wait3A_633 = tpu.memref_slice %arg6[%dma_wait3A_619, %dma_wait3A_631, %dma_wait3A_632] : memref<10x64x128xf32, #tpu.memory_space<vmem>> -> memref<1x64x128xf32, #tpu.memory_space<vmem>>
      %dma_wait3A_634 = tpu.memref_squeeze %dma_wait3A_633 : memref<1x64x128xf32, #tpu.memory_space<vmem>> -> memref<64x128xf32, #tpu.memory_space<vmem>>
      tpu.wait_dma2 semaphore(%dma_wait3A_628 : memref<!tpu.dma_semaphore, #tpu.memory_space<semaphore_mem>>) src(%dma_wait3A_634 : memref<64x128xf32, #tpu.memory_space<vmem>>) dst(%dma_wait3A_630 : memref<64x128xf32, #tpu.memory_space<hbm>>)
      %add3A_635 = arith.constant 10 : i32
      %add3A_636 = arith.addi %add3A_584, %add3A_635 : i32
      %lt3A_637 = arith.constant 100 : i32
      %lt3A_638 = arith.cmpi slt, %add3A_636, %lt3A_637 : i32
      %convert_element_type3A_639 = arith.extui %lt3A_638 : i1 to i32
      %cond3A_640 = arith.constant 0 : i32
      %cond3A_641 = arith.cmpi ne, %convert_element_type3A_639, %cond3A_640 : i32
      scf.if %cond3A_641 {
        %dma_start3A_764 = arith.constant 7 : i32
        %dma_start3A_765 = arith.constant 7 : i32
        %dma_start3A_766 = arith.constant 0 : i32
        %dma_start3A_767 = arith.constant 0 : i32
        %dma_start3A_768 = tpu.memref_slice %arg6[%dma_start3A_764, %dma_start3A_766, %dma_start3A_767] : memref<10x64x128xf32, #tpu.memory_space<vmem>> -> memref<1x64x128xf32, #tpu.memory_space<vmem>>
        %dma_start3A_769 = tpu.memref_squeeze %dma_start3A_768 : memref<1x64x128xf32, #tpu.memory_space<vmem>> -> memref<64x128xf32, #tpu.memory_space<vmem>>
        %dma_start3A_770 = arith.constant 0 : i32
        %dma_start3A_771 = tpu.memref_slice %arg5[%add3A_636, %dma_start3A_770] : memref<100x64xi32, #tpu.memory_space<vmem>> -> memref<1x64xi32, #tpu.memory_space<vmem>>
        %dma_start3A_772 = tpu.memref_squeeze %dma_start3A_771 : memref<1x64xi32, #tpu.memory_space<vmem>> -> memref<64xi32, #tpu.memory_space<vmem>>
        %dma_start3A_773 = arith.constant 0 : i32
        %dma_start3A_774 = arith.constant 0 : i32
        %dma_start3A_775 = tpu.memref_slice %arg2[%dma_start3A_773, %dma_start3A_774] : memref<100000x128xf32, #tpu.memory_space<hbm>> -> memref<100000x128xf32, #tpu.memory_space<hbm>>
        %dma_start3A_776 = tpu.memref_slice %arg7[%dma_start3A_765] : memref<10x!tpu.dma_semaphore, #tpu.memory_space<semaphore_mem>> -> memref<1x!tpu.dma_semaphore, #tpu.memory_space<semaphore_mem>>
        %dma_start3A_777 = tpu.memref_squeeze %dma_start3A_776 : memref<1x!tpu.dma_semaphore, #tpu.memory_space<semaphore_mem>> -> memref<!tpu.dma_semaphore, #tpu.memory_space<semaphore_mem>>
        tpu.enqueue_indirect_dma source(%dma_start3A_775 : memref<100000x128xf32, #tpu.memory_space<hbm>>) target(%dma_start3A_769 : memref<64x128xf32, #tpu.memory_space<vmem>>) offsets(%dma_start3A_772 : memref<64xi32, #tpu.memory_space<vmem>>) semaphore(%dma_start3A_777 : memref<!tpu.dma_semaphore, #tpu.memory_space<semaphore_mem>>)
      } else {
      }
      %mul3A_642 = arith.constant 10 : i32
      %mul3A_643 = arith.muli %scan3A_157, %mul3A_642 : i32
      %add3A_644 = arith.constant 8 : i32
      %add3A_645 = arith.addi %mul3A_643, %add3A_644 : i32
      %dma_wait3A_646 = arith.constant 0 : i32
      %dma_wait3A_647 = arith.constant 8 : i32
      %dma_wait3A_648 = arith.constant 8 : i32
      %dma_wait3A_649 = arith.constant 0 : i32
      %dma_wait3A_650 = arith.constant 0 : i32
      %dma_wait3A_651 = tpu.memref_slice %arg6[%dma_wait3A_647, %dma_wait3A_649, %dma_wait3A_650] : memref<10x64x128xf32, #tpu.memory_space<vmem>> -> memref<1x64x128xf32, #tpu.memory_space<vmem>>
      %dma_wait3A_652 = tpu.memref_squeeze %dma_wait3A_651 : memref<1x64x128xf32, #tpu.memory_space<vmem>> -> memref<64x128xf32, #tpu.memory_space<vmem>>
      %dma_wait3A_653 = arith.constant 0 : i32
      %dma_wait3A_654 = tpu.memref_slice %arg5[%dma_wait3A_646, %dma_wait3A_653] : memref<100x64xi32, #tpu.memory_space<vmem>> -> memref<1x64xi32, #tpu.memory_space<vmem>>
      %dma_wait3A_655 = tpu.memref_squeeze %dma_wait3A_654 : memref<1x64xi32, #tpu.memory_space<vmem>> -> memref<64xi32, #tpu.memory_space<vmem>>
      %dma_wait3A_656 = arith.constant 0 : i32
      %dma_wait3A_657 = arith.constant 0 : i32
      %dma_wait3A_658 = tpu.memref_slice %arg2[%dma_wait3A_656, %dma_wait3A_657] : memref<100000x128xf32, #tpu.memory_space<hbm>> -> memref<100000x128xf32, #tpu.memory_space<hbm>>
      %dma_wait3A_659 = tpu.memref_slice %arg7[%dma_wait3A_648] : memref<10x!tpu.dma_semaphore, #tpu.memory_space<semaphore_mem>> -> memref<1x!tpu.dma_semaphore, #tpu.memory_space<semaphore_mem>>
      %dma_wait3A_660 = tpu.memref_squeeze %dma_wait3A_659 : memref<1x!tpu.dma_semaphore, #tpu.memory_space<semaphore_mem>> -> memref<!tpu.dma_semaphore, #tpu.memory_space<semaphore_mem>>
      tpu.wait_indirect_dma semaphore(%dma_wait3A_660 : memref<!tpu.dma_semaphore, #tpu.memory_space<semaphore_mem>>) src(%dma_wait3A_658 : memref<100000x128xf32, #tpu.memory_space<hbm>>) dst(%dma_wait3A_652 : memref<64x128xf32, #tpu.memory_space<vmem>>)
      %mul3A_661 = arith.constant 64 : i32
      %mul3A_662 = arith.muli %add3A_645, %mul3A_661 : i32
      %add3A_663 = arith.addi %mul3A_2, %mul3A_662 : i32
      %dma_start3A_664 = arith.constant 8 : i32
      %dma_start3A_665 = arith.constant 8 : i32
      %dma_start3A_666 = arith.constant 0 : i32
      %dma_start3A_667 = arith.constant 0 : i32
      %dma_start3A_668 = tpu.memref_slice %arg6[%dma_start3A_664, %dma_start3A_666, %dma_start3A_667] : memref<10x64x128xf32, #tpu.memory_space<vmem>> -> memref<1x64x128xf32, #tpu.memory_space<vmem>>
      %dma_start3A_669 = tpu.memref_squeeze %dma_start3A_668 : memref<1x64x128xf32, #tpu.memory_space<vmem>> -> memref<64x128xf32, #tpu.memory_space<vmem>>
      %dma_start3A_670 = arith.constant 0 : i32
      %dma_start3A_671 = tpu.memref_slice %arg4[%add3A_663, %dma_start3A_670] : memref<204800x128xf32, #tpu.memory_space<hbm>> -> memref<64x128xf32, #tpu.memory_space<hbm>>
      %dma_start3A_672 = tpu.memref_slice %arg8[%dma_start3A_665] : memref<10x!tpu.dma_semaphore, #tpu.memory_space<semaphore_mem>> -> memref<1x!tpu.dma_semaphore, #tpu.memory_space<semaphore_mem>>
      %dma_start3A_673 = tpu.memref_squeeze %dma_start3A_672 : memref<1x!tpu.dma_semaphore, #tpu.memory_space<semaphore_mem>> -> memref<!tpu.dma_semaphore, #tpu.memory_space<semaphore_mem>>
      %dma_start3A_674 = arith.constant 0 : i32
      %dma_start3A_675 = tpu.memref_slice %arg4[%add3A_663, %dma_start3A_674] : memref<204800x128xf32, #tpu.memory_space<hbm>> -> memref<64x128xf32, #tpu.memory_space<hbm>>
      %dma_start3A_676 = arith.constant 0 : i32
      %dma_start3A_677 = arith.constant 0 : i32
      %dma_start3A_678 = tpu.memref_slice %arg6[%dma_start3A_664, %dma_start3A_676, %dma_start3A_677] : memref<10x64x128xf32, #tpu.memory_space<vmem>> -> memref<1x64x128xf32, #tpu.memory_space<vmem>>
      %dma_start3A_679 = tpu.memref_squeeze %dma_start3A_678 : memref<1x64x128xf32, #tpu.memory_space<vmem>> -> memref<64x128xf32, #tpu.memory_space<vmem>>
      tpu.enqueue_dma source(%dma_start3A_679 : memref<64x128xf32, #tpu.memory_space<vmem>>) target(%dma_start3A_675 : memref<64x128xf32, #tpu.memory_space<hbm>>) target_semaphore(%dma_start3A_673 : memref<!tpu.dma_semaphore, #tpu.memory_space<semaphore_mem>>)
      %dma_wait3A_680 = arith.constant 8 : i32
      %dma_wait3A_681 = arith.constant 8 : i32
      %dma_wait3A_682 = arith.constant 0 : i32
      %dma_wait3A_683 = arith.constant 0 : i32
      %dma_wait3A_684 = tpu.memref_slice %arg6[%dma_wait3A_680, %dma_wait3A_682, %dma_wait3A_683] : memref<10x64x128xf32, #tpu.memory_space<vmem>> -> memref<1x64x128xf32, #tpu.memory_space<vmem>>
      %dma_wait3A_685 = tpu.memref_squeeze %dma_wait3A_684 : memref<1x64x128xf32, #tpu.memory_space<vmem>> -> memref<64x128xf32, #tpu.memory_space<vmem>>
      %dma_wait3A_686 = arith.constant 0 : i32
      %dma_wait3A_687 = tpu.memref_slice %arg4[%mul3A_2, %dma_wait3A_686] : memref<204800x128xf32, #tpu.memory_space<hbm>> -> memref<64x128xf32, #tpu.memory_space<hbm>>
      %dma_wait3A_688 = tpu.memref_slice %arg8[%dma_wait3A_681] : memref<10x!tpu.dma_semaphore, #tpu.memory_space<semaphore_mem>> -> memref<1x!tpu.dma_semaphore, #tpu.memory_space<semaphore_mem>>
      %dma_wait3A_689 = tpu.memref_squeeze %dma_wait3A_688 : memref<1x!tpu.dma_semaphore, #tpu.memory_space<semaphore_mem>> -> memref<!tpu.dma_semaphore, #tpu.memory_space<semaphore_mem>>
      %dma_wait3A_690 = arith.constant 0 : i32
      %dma_wait3A_691 = tpu.memref_slice %arg4[%mul3A_2, %dma_wait3A_690] : memref<204800x128xf32, #tpu.memory_space<hbm>> -> memref<64x128xf32, #tpu.memory_space<hbm>>
      %dma_wait3A_692 = arith.constant 0 : i32
      %dma_wait3A_693 = arith.constant 0 : i32
      %dma_wait3A_694 = tpu.memref_slice %arg6[%dma_wait3A_680, %dma_wait3A_692, %dma_wait3A_693] : memref<10x64x128xf32, #tpu.memory_space<vmem>> -> memref<1x64x128xf32, #tpu.memory_space<vmem>>
      %dma_wait3A_695 = tpu.memref_squeeze %dma_wait3A_694 : memref<1x64x128xf32, #tpu.memory_space<vmem>> -> memref<64x128xf32, #tpu.memory_space<vmem>>
      tpu.wait_dma2 semaphore(%dma_wait3A_689 : memref<!tpu.dma_semaphore, #tpu.memory_space<semaphore_mem>>) src(%dma_wait3A_695 : memref<64x128xf32, #tpu.memory_space<vmem>>) dst(%dma_wait3A_691 : memref<64x128xf32, #tpu.memory_space<hbm>>)
      %add3A_696 = arith.constant 10 : i32
      %add3A_697 = arith.addi %add3A_645, %add3A_696 : i32
      %lt3A_698 = arith.constant 100 : i32
      %lt3A_699 = arith.cmpi slt, %add3A_697, %lt3A_698 : i32
      %convert_element_type3A_700 = arith.extui %lt3A_699 : i1 to i32
      %cond3A_701 = arith.constant 0 : i32
      %cond3A_702 = arith.cmpi ne, %convert_element_type3A_700, %cond3A_701 : i32
      scf.if %cond3A_702 {
        %dma_start3A_764 = arith.constant 8 : i32
        %dma_start3A_765 = arith.constant 8 : i32
        %dma_start3A_766 = arith.constant 0 : i32
        %dma_start3A_767 = arith.constant 0 : i32
        %dma_start3A_768 = tpu.memref_slice %arg6[%dma_start3A_764, %dma_start3A_766, %dma_start3A_767] : memref<10x64x128xf32, #tpu.memory_space<vmem>> -> memref<1x64x128xf32, #tpu.memory_space<vmem>>
        %dma_start3A_769 = tpu.memref_squeeze %dma_start3A_768 : memref<1x64x128xf32, #tpu.memory_space<vmem>> -> memref<64x128xf32, #tpu.memory_space<vmem>>
        %dma_start3A_770 = arith.constant 0 : i32
        %dma_start3A_771 = tpu.memref_slice %arg5[%add3A_697, %dma_start3A_770] : memref<100x64xi32, #tpu.memory_space<vmem>> -> memref<1x64xi32, #tpu.memory_space<vmem>>
        %dma_start3A_772 = tpu.memref_squeeze %dma_start3A_771 : memref<1x64xi32, #tpu.memory_space<vmem>> -> memref<64xi32, #tpu.memory_space<vmem>>
        %dma_start3A_773 = arith.constant 0 : i32
        %dma_start3A_774 = arith.constant 0 : i32
        %dma_start3A_775 = tpu.memref_slice %arg2[%dma_start3A_773, %dma_start3A_774] : memref<100000x128xf32, #tpu.memory_space<hbm>> -> memref<100000x128xf32, #tpu.memory_space<hbm>>
        %dma_start3A_776 = tpu.memref_slice %arg7[%dma_start3A_765] : memref<10x!tpu.dma_semaphore, #tpu.memory_space<semaphore_mem>> -> memref<1x!tpu.dma_semaphore, #tpu.memory_space<semaphore_mem>>
        %dma_start3A_777 = tpu.memref_squeeze %dma_start3A_776 : memref<1x!tpu.dma_semaphore, #tpu.memory_space<semaphore_mem>> -> memref<!tpu.dma_semaphore, #tpu.memory_space<semaphore_mem>>
        tpu.enqueue_indirect_dma source(%dma_start3A_775 : memref<100000x128xf32, #tpu.memory_space<hbm>>) target(%dma_start3A_769 : memref<64x128xf32, #tpu.memory_space<vmem>>) offsets(%dma_start3A_772 : memref<64xi32, #tpu.memory_space<vmem>>) semaphore(%dma_start3A_777 : memref<!tpu.dma_semaphore, #tpu.memory_space<semaphore_mem>>)
      } else {
      }
      %mul3A_703 = arith.constant 10 : i32
      %mul3A_704 = arith.muli %scan3A_157, %mul3A_703 : i32
      %add3A_705 = arith.constant 9 : i32
      %add3A_706 = arith.addi %mul3A_704, %add3A_705 : i32
      %dma_wait3A_707 = arith.constant 0 : i32
      %dma_wait3A_708 = arith.constant 9 : i32
      %dma_wait3A_709 = arith.constant 9 : i32
      %dma_wait3A_710 = arith.constant 0 : i32
      %dma_wait3A_711 = arith.constant 0 : i32
      %dma_wait3A_712 = tpu.memref_slice %arg6[%dma_wait3A_708, %dma_wait3A_710, %dma_wait3A_711] : memref<10x64x128xf32, #tpu.memory_space<vmem>> -> memref<1x64x128xf32, #tpu.memory_space<vmem>>
      %dma_wait3A_713 = tpu.memref_squeeze %dma_wait3A_712 : memref<1x64x128xf32, #tpu.memory_space<vmem>> -> memref<64x128xf32, #tpu.memory_space<vmem>>
      %dma_wait3A_714 = arith.constant 0 : i32
      %dma_wait3A_715 = tpu.memref_slice %arg5[%dma_wait3A_707, %dma_wait3A_714] : memref<100x64xi32, #tpu.memory_space<vmem>> -> memref<1x64xi32, #tpu.memory_space<vmem>>
      %dma_wait3A_716 = tpu.memref_squeeze %dma_wait3A_715 : memref<1x64xi32, #tpu.memory_space<vmem>> -> memref<64xi32, #tpu.memory_space<vmem>>
      %dma_wait3A_717 = arith.constant 0 : i32
      %dma_wait3A_718 = arith.constant 0 : i32
      %dma_wait3A_719 = tpu.memref_slice %arg2[%dma_wait3A_717, %dma_wait3A_718] : memref<100000x128xf32, #tpu.memory_space<hbm>> -> memref<100000x128xf32, #tpu.memory_space<hbm>>
      %dma_wait3A_720 = tpu.memref_slice %arg7[%dma_wait3A_709] : memref<10x!tpu.dma_semaphore, #tpu.memory_space<semaphore_mem>> -> memref<1x!tpu.dma_semaphore, #tpu.memory_space<semaphore_mem>>
      %dma_wait3A_721 = tpu.memref_squeeze %dma_wait3A_720 : memref<1x!tpu.dma_semaphore, #tpu.memory_space<semaphore_mem>> -> memref<!tpu.dma_semaphore, #tpu.memory_space<semaphore_mem>>
      tpu.wait_indirect_dma semaphore(%dma_wait3A_721 : memref<!tpu.dma_semaphore, #tpu.memory_space<semaphore_mem>>) src(%dma_wait3A_719 : memref<100000x128xf32, #tpu.memory_space<hbm>>) dst(%dma_wait3A_713 : memref<64x128xf32, #tpu.memory_space<vmem>>)
      %mul3A_722 = arith.constant 64 : i32
      %mul3A_723 = arith.muli %add3A_706, %mul3A_722 : i32
      %add3A_724 = arith.addi %mul3A_2, %mul3A_723 : i32
      %dma_start3A_725 = arith.constant 9 : i32
      %dma_start3A_726 = arith.constant 9 : i32
      %dma_start3A_727 = arith.constant 0 : i32
      %dma_start3A_728 = arith.constant 0 : i32
      %dma_start3A_729 = tpu.memref_slice %arg6[%dma_start3A_725, %dma_start3A_727, %dma_start3A_728] : memref<10x64x128xf32, #tpu.memory_space<vmem>> -> memref<1x64x128xf32, #tpu.memory_space<vmem>>
      %dma_start3A_730 = tpu.memref_squeeze %dma_start3A_729 : memref<1x64x128xf32, #tpu.memory_space<vmem>> -> memref<64x128xf32, #tpu.memory_space<vmem>>
      %dma_start3A_731 = arith.constant 0 : i32
      %dma_start3A_732 = tpu.memref_slice %arg4[%add3A_724, %dma_start3A_731] : memref<204800x128xf32, #tpu.memory_space<hbm>> -> memref<64x128xf32, #tpu.memory_space<hbm>>
      %dma_start3A_733 = tpu.memref_slice %arg8[%dma_start3A_726] : memref<10x!tpu.dma_semaphore, #tpu.memory_space<semaphore_mem>> -> memref<1x!tpu.dma_semaphore, #tpu.memory_space<semaphore_mem>>
      %dma_start3A_734 = tpu.memref_squeeze %dma_start3A_733 : memref<1x!tpu.dma_semaphore, #tpu.memory_space<semaphore_mem>> -> memref<!tpu.dma_semaphore, #tpu.memory_space<semaphore_mem>>
      %dma_start3A_735 = arith.constant 0 : i32
      %dma_start3A_736 = tpu.memref_slice %arg4[%add3A_724, %dma_start3A_735] : memref<204800x128xf32, #tpu.memory_space<hbm>> -> memref<64x128xf32, #tpu.memory_space<hbm>>
      %dma_start3A_737 = arith.constant 0 : i32
      %dma_start3A_738 = arith.constant 0 : i32
      %dma_start3A_739 = tpu.memref_slice %arg6[%dma_start3A_725, %dma_start3A_737, %dma_start3A_738] : memref<10x64x128xf32, #tpu.memory_space<vmem>> -> memref<1x64x128xf32, #tpu.memory_space<vmem>>
      %dma_start3A_740 = tpu.memref_squeeze %dma_start3A_739 : memref<1x64x128xf32, #tpu.memory_space<vmem>> -> memref<64x128xf32, #tpu.memory_space<vmem>>
      tpu.enqueue_dma source(%dma_start3A_740 : memref<64x128xf32, #tpu.memory_space<vmem>>) target(%dma_start3A_736 : memref<64x128xf32, #tpu.memory_space<hbm>>) target_semaphore(%dma_start3A_734 : memref<!tpu.dma_semaphore, #tpu.memory_space<semaphore_mem>>)
      %dma_wait3A_741 = arith.constant 9 : i32
      %dma_wait3A_742 = arith.constant 9 : i32
      %dma_wait3A_743 = arith.constant 0 : i32
      %dma_wait3A_744 = arith.constant 0 : i32
      %dma_wait3A_745 = tpu.memref_slice %arg6[%dma_wait3A_741, %dma_wait3A_743, %dma_wait3A_744] : memref<10x64x128xf32, #tpu.memory_space<vmem>> -> memref<1x64x128xf32, #tpu.memory_space<vmem>>
      %dma_wait3A_746 = tpu.memref_squeeze %dma_wait3A_745 : memref<1x64x128xf32, #tpu.memory_space<vmem>> -> memref<64x128xf32, #tpu.memory_space<vmem>>
      %dma_wait3A_747 = arith.constant 0 : i32
      %dma_wait3A_748 = tpu.memref_slice %arg4[%mul3A_2, %dma_wait3A_747] : memref<204800x128xf32, #tpu.memory_space<hbm>> -> memref<64x128xf32, #tpu.memory_space<hbm>>
      %dma_wait3A_749 = tpu.memref_slice %arg8[%dma_wait3A_742] : memref<10x!tpu.dma_semaphore, #tpu.memory_space<semaphore_mem>> -> memref<1x!tpu.dma_semaphore, #tpu.memory_space<semaphore_mem>>
      %dma_wait3A_750 = tpu.memref_squeeze %dma_wait3A_749 : memref<1x!tpu.dma_semaphore, #tpu.memory_space<semaphore_mem>> -> memref<!tpu.dma_semaphore, #tpu.memory_space<semaphore_mem>>
      %dma_wait3A_751 = arith.constant 0 : i32
      %dma_wait3A_752 = tpu.memref_slice %arg4[%mul3A_2, %dma_wait3A_751] : memref<204800x128xf32, #tpu.memory_space<hbm>> -> memref<64x128xf32, #tpu.memory_space<hbm>>
      %dma_wait3A_753 = arith.constant 0 : i32
      %dma_wait3A_754 = arith.constant 0 : i32
      %dma_wait3A_755 = tpu.memref_slice %arg6[%dma_wait3A_741, %dma_wait3A_753, %dma_wait3A_754] : memref<10x64x128xf32, #tpu.memory_space<vmem>> -> memref<1x64x128xf32, #tpu.memory_space<vmem>>
      %dma_wait3A_756 = tpu.memref_squeeze %dma_wait3A_755 : memref<1x64x128xf32, #tpu.memory_space<vmem>> -> memref<64x128xf32, #tpu.memory_space<vmem>>
      tpu.wait_dma2 semaphore(%dma_wait3A_750 : memref<!tpu.dma_semaphore, #tpu.memory_space<semaphore_mem>>) src(%dma_wait3A_756 : memref<64x128xf32, #tpu.memory_space<vmem>>) dst(%dma_wait3A_752 : memref<64x128xf32, #tpu.memory_space<hbm>>)
      %add3A_757 = arith.constant 10 : i32
      %add3A_758 = arith.addi %add3A_706, %add3A_757 : i32
      %lt3A_759 = arith.constant 100 : i32
      %lt3A_760 = arith.cmpi slt, %add3A_758, %lt3A_759 : i32
      %convert_element_type3A_761 = arith.extui %lt3A_760 : i1 to i32
      %cond3A_762 = arith.constant 0 : i32
      %cond3A_763 = arith.cmpi ne, %convert_element_type3A_761, %cond3A_762 : i32
      scf.if %cond3A_763 {
        %dma_start3A_764 = arith.constant 9 : i32
        %dma_start3A_765 = arith.constant 9 : i32
        %dma_start3A_766 = arith.constant 0 : i32
        %dma_start3A_767 = arith.constant 0 : i32
        %dma_start3A_768 = tpu.memref_slice %arg6[%dma_start3A_764, %dma_start3A_766, %dma_start3A_767] : memref<10x64x128xf32, #tpu.memory_space<vmem>> -> memref<1x64x128xf32, #tpu.memory_space<vmem>>
        %dma_start3A_769 = tpu.memref_squeeze %dma_start3A_768 : memref<1x64x128xf32, #tpu.memory_space<vmem>> -> memref<64x128xf32, #tpu.memory_space<vmem>>
        %dma_start3A_770 = arith.constant 0 : i32
        %dma_start3A_771 = tpu.memref_slice %arg5[%add3A_758, %dma_start3A_770] : memref<100x64xi32, #tpu.memory_space<vmem>> -> memref<1x64xi32, #tpu.memory_space<vmem>>
        %dma_start3A_772 = tpu.memref_squeeze %dma_start3A_771 : memref<1x64xi32, #tpu.memory_space<vmem>> -> memref<64xi32, #tpu.memory_space<vmem>>
        %dma_start3A_773 = arith.constant 0 : i32
        %dma_start3A_774 = arith.constant 0 : i32
        %dma_start3A_775 = tpu.memref_slice %arg2[%dma_start3A_773, %dma_start3A_774] : memref<100000x128xf32, #tpu.memory_space<hbm>> -> memref<100000x128xf32, #tpu.memory_space<hbm>>
        %dma_start3A_776 = tpu.memref_slice %arg7[%dma_start3A_765] : memref<10x!tpu.dma_semaphore, #tpu.memory_space<semaphore_mem>> -> memref<1x!tpu.dma_semaphore, #tpu.memory_space<semaphore_mem>>
        %dma_start3A_777 = tpu.memref_squeeze %dma_start3A_776 : memref<1x!tpu.dma_semaphore, #tpu.memory_space<semaphore_mem>> -> memref<!tpu.dma_semaphore, #tpu.memory_space<semaphore_mem>>
        tpu.enqueue_indirect_dma source(%dma_start3A_775 : memref<100000x128xf32, #tpu.memory_space<hbm>>) target(%dma_start3A_769 : memref<64x128xf32, #tpu.memory_space<vmem>>) offsets(%dma_start3A_772 : memref<64xi32, #tpu.memory_space<vmem>>) semaphore(%dma_start3A_777 : memref<!tpu.dma_semaphore, #tpu.memory_space<semaphore_mem>>)
      } else {
      }
    }
    %scan3A_156 = arith.constant 10 : i32
    return
  }
}

module attributes {stable_mosaic.version = 14 : i64} {
  func.func @_tc_body(%arg0: i32, %arg1: memref<8192x128xf32, #tpu.memory_space<vmem>>, %arg2: memref<5x8192xi32, #tpu.memory_space<vmem>>, %arg3: memref<128x128xf32, #tpu.memory_space<vmem>>, %arg4: memref<48x128xf32, #tpu.memory_space<vmem>>, %arg5: memref<48x1xf32, #tpu.memory_space<vmem>>, %arg6: memref<48x1xf32, #tpu.memory_space<vmem>>, %arg7: memref<48x1xf32, #tpu.memory_space<vmem>>, %arg8: memref<48x1xf32, #tpu.memory_space<vmem>>, %arg9: memref<8x128xf32, #tpu.memory_space<vmem>>, %arg10: memref<1x128xf32, #tpu.memory_space<vmem>>, %arg11: memref<1x128xf32, #tpu.memory_space<vmem>>, %arg12: memref<1x128xf32, #tpu.memory_space<vmem>>, %arg13: memref<8192x128xf32, #tpu.memory_space<vmem>>) attributes {dimension_semantics = [#tpu.dimension_semantics<arbitrary>], iteration_bounds = array<i64: 25>, scalar_prefetch = 0 : i64, scratch_operands = 0 : i64, tpu.core_type = #tpu.core_type<tc>, window_params = [{transform_indices = @transform_0, window_bounds = array<i64: 8192, 128>}, {transform_indices = @transform_1, window_bounds = array<i64: 5, 8192>}, {pipeline_mode = #tpu.pipeline_mode<synchronous>, transform_indices = @transform_2, window_bounds = array<i64: 128, 128>}, {pipeline_mode = #tpu.pipeline_mode<synchronous>, transform_indices = @transform_3, window_bounds = array<i64: 48, 128>}, {pipeline_mode = #tpu.pipeline_mode<synchronous>, transform_indices = @transform_4, window_bounds = array<i64: 48, 1>}, {pipeline_mode = #tpu.pipeline_mode<synchronous>, transform_indices = @transform_5, window_bounds = array<i64: 48, 1>}, {pipeline_mode = #tpu.pipeline_mode<synchronous>, transform_indices = @transform_6, window_bounds = array<i64: 48, 1>}, {pipeline_mode = #tpu.pipeline_mode<synchronous>, transform_indices = @transform_7, window_bounds = array<i64: 48, 1>}, {pipeline_mode = #tpu.pipeline_mode<synchronous>, transform_indices = @transform_8, window_bounds = array<i64: 8, 128>}, {pipeline_mode = #tpu.pipeline_mode<synchronous>, transform_indices = @transform_9, window_bounds = array<i64: 1, 128>}, {pipeline_mode = #tpu.pipeline_mode<synchronous>, transform_indices = @transform_10, window_bounds = array<i64: 1, 128>}, {pipeline_mode = #tpu.pipeline_mode<synchronous>, transform_indices = @transform_11, window_bounds = array<i64: 1, 128>}, {transform_indices = @transform_12, window_bounds = array<i64: 8192, 128>}]} {
    %get3A = arith.constant 0 : index
    %get3A_0 = arith.constant 0 : index
    %get3A_1 = vector.load %arg2[%get3A, %get3A_0] : memref<5x8192xi32, #tpu.memory_space<vmem>>, vector<5x8192xi32>
    %slice3A = vector.extract_strided_slice %get3A_1 {offsets = [0, 0], sizes = [1, 8192], strides = [1, 1]} : vector<5x8192xi32> to vector<1x8192xi32>
    %convert_element_type3A = arith.sitofp %slice3A : vector<1x8192xi32> to vector<1x8192xf32>
    %slice3A_2 = vector.extract_strided_slice %get3A_1 {offsets = [1, 0], sizes = [1, 8192], strides = [1, 1]} : vector<5x8192xi32> to vector<1x8192xi32>
    %convert_element_type3A_3 = arith.sitofp %slice3A_2 : vector<1x8192xi32> to vector<1x8192xf32>
    %slice3A_4 = vector.extract_strided_slice %get3A_1 {offsets = [2, 0], sizes = [1, 8192], strides = [1, 1]} : vector<5x8192xi32> to vector<1x8192xi32>
    %slice3A_5 = vector.extract_strided_slice %get3A_1 {offsets = [3, 0], sizes = [1, 8192], strides = [1, 1]} : vector<5x8192xi32> to vector<1x8192xi32>
    %sub3A = arith.subi %slice3A_4, %slice3A_5 : vector<1x8192xi32>
    %jit3A = arith.constant 0 : i32
    %jit3A_6 = arith.constant 511 : i32
    %max3A = vector.broadcast %jit3A : i32 to vector<1x8192xi32>
    %max3A_7 = arith.maxsi %max3A, %sub3A : vector<1x8192xi32>
    %min3A = vector.broadcast %jit3A_6 : i32 to vector<1x8192xi32>
    %min3A_8 = arith.minsi %min3A, %max3A_7 : vector<1x8192xi32>
    %convert_element_type3A_9 = arith.sitofp %min3A_8 : vector<1x8192xi32> to vector<1x8192xf32>
    %get3A_10 = arith.constant 0 : index
    %get3A_11 = arith.constant 0 : index
    %get3A_12 = vector.load %arg5[%get3A_10, %get3A_11] : memref<48x1xf32, #tpu.memory_space<vmem>>, vector<48x1xf32>
    %mul3A = vector.broadcast %get3A_12 : vector<48x1xf32> to vector<48x8192xf32>
    %mul3A_13 = vector.broadcast %convert_element_type3A : vector<1x8192xf32> to vector<48x8192xf32>
    %mul3A_14 = arith.mulf %mul3A, %mul3A_13 : vector<48x8192xf32>
    %get3A_15 = arith.constant 0 : index
    %get3A_16 = arith.constant 0 : index
    %get3A_17 = vector.load %arg6[%get3A_15, %get3A_16] : memref<48x1xf32, #tpu.memory_space<vmem>>, vector<48x1xf32>
    %mul3A_18 = vector.broadcast %get3A_17 : vector<48x1xf32> to vector<48x8192xf32>
    %mul3A_19 = vector.broadcast %convert_element_type3A_3 : vector<1x8192xf32> to vector<48x8192xf32>
    %mul3A_20 = arith.mulf %mul3A_18, %mul3A_19 : vector<48x8192xf32>
    %add3A = arith.addf %mul3A_14, %mul3A_20 : vector<48x8192xf32>
    %get3A_21 = arith.constant 0 : index
    %get3A_22 = arith.constant 0 : index
    %get3A_23 = vector.load %arg7[%get3A_21, %get3A_22] : memref<48x1xf32, #tpu.memory_space<vmem>>, vector<48x1xf32>
    %mul3A_24 = vector.broadcast %get3A_23 : vector<48x1xf32> to vector<48x8192xf32>
    %mul3A_25 = vector.broadcast %convert_element_type3A_9 : vector<1x8192xf32> to vector<48x8192xf32>
    %mul3A_26 = arith.mulf %mul3A_24, %mul3A_25 : vector<48x8192xf32>
    %add3A_27 = arith.addf %add3A, %mul3A_26 : vector<48x8192xf32>
    %get3A_28 = arith.constant 0 : index
    %get3A_29 = arith.constant 0 : index
    %get3A_30 = vector.load %arg8[%get3A_28, %get3A_29] : memref<48x1xf32, #tpu.memory_space<vmem>>, vector<48x1xf32>
    %add3A_31 = vector.broadcast %get3A_30 : vector<48x1xf32> to vector<48x8192xf32>
    %add3A_32 = arith.addf %add3A_27, %add3A_31 : vector<48x8192xf32>
    %mul3A_33 = arith.constant 0.159154937 : f32
    %mul3A_34 = vector.broadcast %mul3A_33 : f32 to vector<48x8192xf32>
    %mul3A_35 = arith.mulf %add3A_32, %mul3A_34 : vector<48x8192xf32>
    %round3A = math.roundeven %mul3A_35 : vector<48x8192xf32>
    %mul3A_36 = arith.constant 6.281250e+00 : f32
    %mul3A_37 = vector.broadcast %mul3A_36 : f32 to vector<48x8192xf32>
    %mul3A_38 = arith.mulf %round3A, %mul3A_37 : vector<48x8192xf32>
    %sub3A_39 = arith.subf %add3A_32, %mul3A_38 : vector<48x8192xf32>
    %mul3A_40 = arith.constant 0.00193530717 : f32
    %mul3A_41 = vector.broadcast %mul3A_40 : f32 to vector<48x8192xf32>
    %mul3A_42 = arith.mulf %round3A, %mul3A_41 : vector<48x8192xf32>
    %sub3A_43 = arith.subf %sub3A_39, %mul3A_42 : vector<48x8192xf32>
    %mul3A_44 = arith.mulf %sub3A_43, %sub3A_43 : vector<48x8192xf32>
    %mul3A_45 = arith.constant 1.60590444E-10 : f32
    %mul3A_46 = vector.broadcast %mul3A_45 : f32 to vector<48x8192xf32>
    %mul3A_47 = arith.mulf %mul3A_46, %mul3A_44 : vector<48x8192xf32>
    %sub3A_48 = arith.constant 2.50521079E-8 : f32
    %sub3A_49 = vector.broadcast %sub3A_48 : f32 to vector<48x8192xf32>
    %sub3A_50 = arith.subf %mul3A_47, %sub3A_49 : vector<48x8192xf32>
    %mul3A_51 = arith.mulf %sub3A_50, %mul3A_44 : vector<48x8192xf32>
    %add3A_52 = arith.constant 2.75573188E-6 : f32
    %add3A_53 = vector.broadcast %add3A_52 : f32 to vector<48x8192xf32>
    %add3A_54 = arith.addf %mul3A_51, %add3A_53 : vector<48x8192xf32>
    %mul3A_55 = arith.mulf %add3A_54, %mul3A_44 : vector<48x8192xf32>
    %sub3A_56 = arith.constant 1.98412701E-4 : f32
    %sub3A_57 = vector.broadcast %sub3A_56 : f32 to vector<48x8192xf32>
    %sub3A_58 = arith.subf %mul3A_55, %sub3A_57 : vector<48x8192xf32>
    %mul3A_59 = arith.mulf %sub3A_58, %mul3A_44 : vector<48x8192xf32>
    %add3A_60 = arith.constant 0.00833333377 : f32
    %add3A_61 = vector.broadcast %add3A_60 : f32 to vector<48x8192xf32>
    %add3A_62 = arith.addf %mul3A_59, %add3A_61 : vector<48x8192xf32>
    %mul3A_63 = arith.mulf %add3A_62, %mul3A_44 : vector<48x8192xf32>
    %sub3A_64 = arith.constant 0.166666672 : f32
    %sub3A_65 = vector.broadcast %sub3A_64 : f32 to vector<48x8192xf32>
    %sub3A_66 = arith.subf %mul3A_63, %sub3A_65 : vector<48x8192xf32>
    %mul3A_67 = arith.mulf %sub3A_66, %mul3A_44 : vector<48x8192xf32>
    %add3A_68 = arith.constant 1.000000e+00 : f32
    %add3A_69 = vector.broadcast %add3A_68 : f32 to vector<48x8192xf32>
    %add3A_70 = arith.addf %mul3A_67, %add3A_69 : vector<48x8192xf32>
    %mul3A_71 = arith.mulf %sub3A_43, %add3A_70 : vector<48x8192xf32>
    %slice3A_72 = vector.extract_strided_slice %get3A_1 {offsets = [4, 0], sizes = [1, 8192], strides = [1, 1]} : vector<5x8192xi32> to vector<1x8192xi32>
    %iota3A = tpu.iota {dimensions = array<i32: 0>} : vector<8x1xi32>
    %eq3A = vector.broadcast %slice3A_72 : vector<1x8192xi32> to vector<8x8192xi32>
    %eq3A_73 = vector.broadcast %iota3A : vector<8x1xi32> to vector<8x8192xi32>
    %eq3A_74 = arith.cmpi eq, %eq3A, %eq3A_73 : vector<8x8192xi32>
    %convert_element_type3A_75 = arith.extui %eq3A_74 : vector<8x8192xi1> to vector<8x8192xi32>
    %convert_element_type3A_76 = arith.sitofp %convert_element_type3A_75 : vector<8x8192xi32> to vector<8x8192xf32>
    %get3A_77 = arith.constant 0 : index
    %get3A_78 = arith.constant 0 : index
    %get3A_79 = vector.load %arg1[%get3A_77, %get3A_78] : memref<8192x128xf32, #tpu.memory_space<vmem>>, vector<8192x128xf32>
    %get3A_80 = arith.constant 0 : index
    %get3A_81 = arith.constant 0 : index
    %get3A_82 = vector.load %arg3[%get3A_80, %get3A_81] : memref<128x128xf32, #tpu.memory_space<vmem>>, vector<128x128xf32>
    %dot_general3A = arith.constant dense<0.000000e+00> : vector<8192x128xf32>
    %dot_general3A_83 = tpu.matmul %get3A_79, %get3A_82, %dot_general3A {dimension_numbers = #tpu.dot_dimension_numbers<[1], [0], [0], [1], [0, 0, 1, 1], [], []>, transpose_lhs_hint = false} : vector<8192x128xf32>, vector<128x128xf32>, vector<8192x128xf32> -> vector<8192x128xf32>
    %transpose3A = tpu.transpose %mul3A_71, [1, 0] : vector<48x8192xf32> -> vector<8192x48xf32>
    %get3A_84 = arith.constant 0 : index
    %get3A_85 = arith.constant 0 : index
    %get3A_86 = vector.load %arg4[%get3A_84, %get3A_85] : memref<48x128xf32, #tpu.memory_space<vmem>>, vector<48x128xf32>
    %dot_general3A_87 = arith.constant dense<0.000000e+00> : vector<8192x128xf32>
    %dot_general3A_88 = tpu.matmul %transpose3A, %get3A_86, %dot_general3A_87 {dimension_numbers = #tpu.dot_dimension_numbers<[1], [0], [0], [1], [0, 0, 1, 1], [], []>, transpose_lhs_hint = false} : vector<8192x48xf32>, vector<48x128xf32>, vector<8192x128xf32> -> vector<8192x128xf32>
    %add3A_89 = arith.addf %dot_general3A_83, %dot_general3A_88 : vector<8192x128xf32>
    %get3A_90 = arith.constant 0 : index
    %get3A_91 = arith.constant 0 : index
    %get3A_92 = vector.load %arg10[%get3A_90, %get3A_91] : memref<1x128xf32, #tpu.memory_space<vmem>>, vector<1x128xf32>
    %add3A_93 = vector.broadcast %get3A_92 : vector<1x128xf32> to vector<8192x128xf32>
    %add3A_94 = arith.addf %add3A_89, %add3A_93 : vector<8192x128xf32>
    %tanh3A = math.tanh %add3A_94 : vector<8192x128xf32>
    %transpose3A_95 = tpu.transpose %convert_element_type3A_76, [1, 0] : vector<8x8192xf32> -> vector<8192x8xf32>
    %get3A_96 = arith.constant 0 : index
    %get3A_97 = arith.constant 0 : index
    %get3A_98 = vector.load %arg9[%get3A_96, %get3A_97] : memref<8x128xf32, #tpu.memory_space<vmem>>, vector<8x128xf32>
    %dot_general3A_99 = arith.constant dense<0.000000e+00> : vector<8192x128xf32>
    %dot_general3A_100 = tpu.matmul %transpose3A_95, %get3A_98, %dot_general3A_99 {dimension_numbers = #tpu.dot_dimension_numbers<[1], [0], [0], [1], [0, 0, 1, 1], [], []>, transpose_lhs_hint = false} : vector<8192x8xf32>, vector<8x128xf32>, vector<8192x128xf32> -> vector<8192x128xf32>
    %add3A_101 = arith.addf %tanh3A, %dot_general3A_100 : vector<8192x128xf32>
    %reduce_sum3A = arith.constant dense<0.000000e+00> : vector<8192xf32>
    %reduce_sum3A_102 = vector.multi_reduction <add>, %add3A_101, %reduce_sum3A [1] : vector<8192x128xf32> to vector<8192xf32>
    %broadcast_in_dim3A = vector.shape_cast %reduce_sum3A_102 : vector<8192xf32> to vector<8192x1xf32>
    %div3A = arith.constant 1.280000e+02 : f32
    %div3A_103 = vector.broadcast %div3A : f32 to vector<8192x1xf32>
    %div3A_104 = arith.divf %broadcast_in_dim3A, %div3A_103 : vector<8192x1xf32>
    %mul3A_105 = arith.mulf %add3A_101, %add3A_101 : vector<8192x128xf32>
    %reduce_sum3A_106 = arith.constant dense<0.000000e+00> : vector<8192xf32>
    %reduce_sum3A_107 = vector.multi_reduction <add>, %mul3A_105, %reduce_sum3A_106 [1] : vector<8192x128xf32> to vector<8192xf32>
    %broadcast_in_dim3A_108 = vector.shape_cast %reduce_sum3A_107 : vector<8192xf32> to vector<8192x1xf32>
    %div3A_109 = arith.constant 1.280000e+02 : f32
    %div3A_110 = vector.broadcast %div3A_109 : f32 to vector<8192x1xf32>
    %div3A_111 = arith.divf %broadcast_in_dim3A_108, %div3A_110 : vector<8192x1xf32>
    %mul3A_112 = arith.mulf %div3A_104, %div3A_104 : vector<8192x1xf32>
    %sub3A_113 = arith.subf %div3A_111, %mul3A_112 : vector<8192x1xf32>
    %add3A_114 = arith.constant 9.99999996E-13 : f32
    %add3A_115 = vector.broadcast %add3A_114 : f32 to vector<8192x1xf32>
    %add3A_116 = arith.addf %sub3A_113, %add3A_115 : vector<8192x1xf32>
    %rsqrt3A = math.rsqrt %add3A_116 : vector<8192x1xf32>
    %sub3A_117 = vector.broadcast %div3A_104 : vector<8192x1xf32> to vector<8192x128xf32>
    %sub3A_118 = arith.subf %add3A_101, %sub3A_117 : vector<8192x128xf32>
    %mul3A_119 = vector.broadcast %rsqrt3A : vector<8192x1xf32> to vector<8192x128xf32>
    %mul3A_120 = arith.mulf %sub3A_118, %mul3A_119 : vector<8192x128xf32>
    %get3A_121 = arith.constant 0 : index
    %get3A_122 = arith.constant 0 : index
    %get3A_123 = vector.load %arg11[%get3A_121, %get3A_122] : memref<1x128xf32, #tpu.memory_space<vmem>>, vector<1x128xf32>
    %mul3A_124 = vector.broadcast %get3A_123 : vector<1x128xf32> to vector<8192x128xf32>
    %mul3A_125 = arith.mulf %mul3A_120, %mul3A_124 : vector<8192x128xf32>
    %get3A_126 = arith.constant 0 : index
    %get3A_127 = arith.constant 0 : index
    %get3A_128 = vector.load %arg12[%get3A_126, %get3A_127] : memref<1x128xf32, #tpu.memory_space<vmem>>, vector<1x128xf32>
    %add3A_129 = vector.broadcast %get3A_128 : vector<1x128xf32> to vector<8192x128xf32>
    %add3A_130 = arith.addf %mul3A_125, %add3A_129 : vector<8192x128xf32>
    %swap3A = arith.constant 0 : index
    %swap3A_131 = arith.constant 0 : index
    %swap3A_132 = vector.load %arg13[%swap3A, %swap3A_131] : memref<8192x128xf32, #tpu.memory_space<vmem>>, vector<8192x128xf32>
    tpu.vector_store %arg13[%swap3A, %swap3A_131], %add3A_130 {strides = array<i32>} : memref<8192x128xf32, #tpu.memory_space<vmem>>, vector<8192x128xf32>,
    return
  }
  func.func @transform_0(%arg0: i32) -> (i32, i32) {
    %c0_i32 = arith.constant 0 : i32
    %c0_i32_0 = arith.constant 0 : i32
    return %arg0, %c0_i32 : i32, i32
  }
  func.func @transform_1(%arg0: i32) -> (i32, i32) {
    %c0_i32 = arith.constant 0 : i32
    %c0_i32_0 = arith.constant 0 : i32
    return %c0_i32, %arg0 : i32, i32
  }
  func.func @transform_2(%arg0: i32) -> (i32, i32) {
    %c0_i32 = arith.constant 0 : i32
    %c0_i32_0 = arith.constant 0 : i32
    %c0_i32_1 = arith.constant 0 : i32
    return %c0_i32, %c0_i32_0 : i32, i32
  }
  func.func @transform_3(%arg0: i32) -> (i32, i32) {
    %c0_i32 = arith.constant 0 : i32
    %c0_i32_0 = arith.constant 0 : i32
    %c0_i32_1 = arith.constant 0 : i32
    return %c0_i32, %c0_i32_0 : i32, i32
  }
  func.func @transform_4(%arg0: i32) -> (i32, i32) {
    %c0_i32 = arith.constant 0 : i32
    %c0_i32_0 = arith.constant 0 : i32
    %c0_i32_1 = arith.constant 0 : i32
    return %c0_i32, %c0_i32_0 : i32, i32
  }
  func.func @transform_5(%arg0: i32) -> (i32, i32) {
    %c0_i32 = arith.constant 0 : i32
    %c0_i32_0 = arith.constant 0 : i32
    %c0_i32_1 = arith.constant 0 : i32
    return %c0_i32, %c0_i32_0 : i32, i32
  }
  func.func @transform_6(%arg0: i32) -> (i32, i32) {
    %c0_i32 = arith.constant 0 : i32
    %c0_i32_0 = arith.constant 0 : i32
    %c0_i32_1 = arith.constant 0 : i32
    return %c0_i32, %c0_i32_0 : i32, i32
  }
  func.func @transform_7(%arg0: i32) -> (i32, i32) {
    %c0_i32 = arith.constant 0 : i32
    %c0_i32_0 = arith.constant 0 : i32
    %c0_i32_1 = arith.constant 0 : i32
    return %c0_i32, %c0_i32_0 : i32, i32
  }
  func.func @transform_8(%arg0: i32) -> (i32, i32) {
    %c0_i32 = arith.constant 0 : i32
    %c0_i32_0 = arith.constant 0 : i32
    %c0_i32_1 = arith.constant 0 : i32
    return %c0_i32, %c0_i32_0 : i32, i32
  }
  func.func @transform_9(%arg0: i32) -> (i32, i32) {
    %c0_i32 = arith.constant 0 : i32
    %c0_i32_0 = arith.constant 0 : i32
    %c0_i32_1 = arith.constant 0 : i32
    return %c0_i32, %c0_i32_0 : i32, i32
  }
  func.func @transform_10(%arg0: i32) -> (i32, i32) {
    %c0_i32 = arith.constant 0 : i32
    %c0_i32_0 = arith.constant 0 : i32
    %c0_i32_1 = arith.constant 0 : i32
    return %c0_i32, %c0_i32_0 : i32, i32
  }
  func.func @transform_11(%arg0: i32) -> (i32, i32) {
    %c0_i32 = arith.constant 0 : i32
    %c0_i32_0 = arith.constant 0 : i32
    %c0_i32_1 = arith.constant 0 : i32
    return %c0_i32, %c0_i32_0 : i32, i32
  }
  func.func @transform_12(%arg0: i32) -> (i32, i32) {
    %c0_i32 = arith.constant 0 : i32
    %c0_i32_0 = arith.constant 0 : i32
    return %arg0, %c0_i32 : i32, i32
  }
}

</mosaic_0001>

<sc_bundles>
// kernel: kernel.4.cloned.1.call-start
scs
__scs_entry_jumppad:
0x0: {  	(pc) =	sbr.rel $0x88, $3  }
0x1: {  	(tag) =	ssettag $0x0;
	lr =	simm.s32 $0x1  }
0x2: {  	[smem:$0x3F92] =	sst lr;
	_ =	strace $0xD0000000  }
0x3: {  	_ = 	snop  }
0x4: {  	_ = 	snop  }
0x5: {  	_ = 	snop  }
0x6: {  	_ = 	snop  }
0x7: {  	_ = 	snop  }
__scs_overlays_trampoline_lowered:
0x8: {  	[smem:$0x3FA1] =	sst s0  }
0x9: {  	[smem:$0x3FA2] =	sst s1  }
0xa: {  	[smem:$0x3FA3] =	sst s2  }
0xb: {  	[smem:$0x3FA4] =	sst s3  }
0xc: {  	[smem:$0x3FA5] =	sst s4  }
0xd: {  	[smem:$0x3FA6] =	sst s5  }
0xe: {  	[smem:$0x3FA7] =	sst s6  }
0xf: {  	[smem:$0x3FA8] =	sst s7  }
0x10: {  	[smem:$0x3FA9] =	sst s8  }
0x11: {  	[smem:$0x3FAA] =	sst s9;
	s0 =	simm.s32 @!p0 $0x0  }
0x12: {  	s1 =	sld [smem:$0x3F90];
	s0 =	simm.s32 @p0 $0x1  }
0x13: {  	[smem:$0x3FAB] =	sst s0;
	s0 =	simm.s32 @!p1 $0x0  }
0x14: {  	s2 =	sld [smem:$0x3F8F];
	s0 =	simm.s32 @p1 $0x1  }
0x15: {  	[smem:$0x3FAC] =	sst s0;
	s0 =	simm.s32 @!p2 $0x0  }
0x16: {  	s3 =	sld [smem:$0x3FDB];
	s0 =	simm.s32 @p2 $0x1  }
0x17: {  	s4 =	simm.s32 $0x1BF5;
	[smem:$0x3FAE] =	sst s0  }
0x18: {  	s0 =	sld [smem:$0x3F91];
	_ =	swait.ge [sflag:s4], $0x0  }
0x19: {  	s7 =	sld [smem:$0x3F92]  }
0x1a: {  	s8 =	sadd.s32 $0xFFFFE003, lr  }
0x1b: {  	s9 =	sadd.s32 $0xFFFFFEF7, lr;
	s5 =	simm.s32 $0xFFFFFFFF;
	p2 =	slt.u32 s8, $0xFFFFF086  }
0x1c: {  	p1 =	slt.u32 s9, $0xF7A;
	s5 =	simm.s32 @!p2 $0x0  }
0x1d: {  	s5 =	simm.s32 @p1 $0x1;
	p0 =	seq.s32 s7, s2  }
0x1e: {  	s7 =	smul.u32 @!p0 $0xF7A, s2;
	p2 =	seq.s32 @!p0 s5, $0x0  }
0x1f: {  	s9 =	smul.u32 $0xF7A, s1;
	s8 =	simm.s32 @!p0 $0x1BF5;
	p2 =	por !p2, p0  }
0x20: {  	[sflag:s8] =	ssyncset.s32 @!p0 $0xFFFFF086;
	s6 =	sadd.s32 @!p0 s3, s7;
	s7 =	simm.s32 @!p0 $0x108  }
0x21: {  	s3 =	sadd.s32 s3, s9;
	s6 =	sadd.s32 @!p0 $0x88, s6;
	s7 =	simm.s32 @p2 $0x1082  }
0x22: {  	[simem:s7], [sflag:s8] =	dma.local @!p0 [hbm:s6], $0xF7A  }
0x23: {  	s9 =	sor.u32 $0xD0000000, s2;
	s6 =	simm.s32 $0x108;
	_ =	swait.ge @!p0 [sflag:s8], $0x0  }
0x24: {  	s3 =	sadd.s32 $0x88, s3;
	s6 =	simm.s32 @!p1 $0x1082;
	[sflag:s4] =	ssyncset.s32 $0xFFFFF086  }
0x25: {  	[simem:s6], [sflag:s4] =	dma.local [hbm:s3], $0xF7A  }
0x26: {  	[smem:$0x3F92] =	sst s1;
	(tag) =	ssettag s2;
	_ =	strace s9  }
0x27: {  	s1 =	sld [smem:$0x3FA2]  }
0x28: {  	s2 =	sld [smem:$0x3FA3]  }
0x29: {  	s4 =	sld [smem:$0x3FA5]  }
0x2a: {  	p0 =	seq.s32 s5, $0x0;
	s5 =	sld [smem:$0x3FA6]  }
0x2b: {  	s6 =	sld [smem:$0x3FA7]  }
0x2c: {  	s7 =	sld [smem:$0x3FA8]  }
0x2d: {  	s3 =	simm.s32 $0x108;
	s8 =	sld [smem:$0x3FA9]  }
0x2e: {  	s3 =	simm.s32 @!p0 $0x1082;
	s9 =	sld [smem:$0x3FAA]  }
0x2f: {  	lr =	sadd.s32 s0, s3;
	s0 =	sld [smem:$0x3FA1]  }
0x30: {  	s3 =	sld [smem:$0x3FA4]  }
0x31: {  	[smem:$0x3FAD] =	sst s10  }
0x32: {  	s10 =	sld [smem:$0x3FAB];
	_ =	sdelay $0x3  }
0x33: {  	p0 =	seq.s32 s10, $0x1;
	s10 =	sld [smem:$0x3FAD];
	_ =	sdelay $0x3  }
0x34: {  	[smem:$0x3FAD] =	sst s10  }
0x35: {  	s10 =	sld [smem:$0x3FAC];
	_ =	sdelay $0x3  }
0x36: {  	p1 =	seq.s32 s10, $0x1;
	s10 =	sld [smem:$0x3FAD];
	_ =	sdelay $0x3  }
0x37: {  	[smem:$0x3FAD] =	sst s10  }
0x38: {  	s10 =	sld [smem:$0x3FAE]  }
0x39: {  	_ = 	snop;
	(pc) =	sbr.ind lr, $3  }
0x3a: {  	_ = 	snop  }
0x3b: {  	_ = 	snop  }
0x3c: {  	p2 =	seq.s32 s10, $0x1;
	s10 =	sld [smem:$0x3FAD]  }
0x3d: {  	_ =	shalt  }
0x3e: {  	_ =	shalt  }
0x3f: {  	_ =	shalt  }
0x40: {  	_ =	shalt  }
0x41: {  	_ =	shalt  }
0x42: {  	_ =	shalt  }
0x43: {  	_ =	shalt  }
0x44: {  	_ =	shalt  }
0x45: {  	_ =	shalt  }
0x46: {  	_ =	shalt  }
0x47: {  	_ =	shalt  }
0x48: {  	_ =	shalt  }
0x49: {  	_ =	shalt  }
0x4a: {  	_ =	shalt  }
0x4b: {  	_ =	shalt  }
0x4c: {  	_ =	shalt  }
0x4d: {  	_ =	shalt  }
0x4e: {  	_ =	shalt  }
0x4f: {  	_ =	shalt  }
0x50: {  	_ =	shalt  }
0x51: {  	_ =	shalt  }
0x52: {  	_ =	shalt  }
0x53: {  	_ =	shalt  }
0x54: {  	_ =	shalt  }
0x55: {  	_ =	shalt  }
0x56: {  	_ =	shalt  }
0x57: {  	_ =	shalt  }
0x58: {  	_ =	shalt  }
0x59: {  	_ =	shalt  }
0x5a: {  	_ =	shalt  }
0x5b: {  	_ =	shalt  }
0x5c: {  	_ =	shalt  }
0x5d: {  	_ =	shalt  }
0x5e: {  	_ =	shalt  }
0x5f: {  	_ =	shalt  }
0x60: {  	_ =	shalt  }
0x61: {  	_ =	shalt  }
0x62: {  	_ =	shalt  }
0x63: {  	_ =	shalt  }
0x64: {  	_ =	shalt  }
0x65: {  	_ =	shalt  }
0x66: {  	_ =	shalt  }
0x67: {  	_ =	shalt  }
0x68: {  	_ =	shalt  }
0x69: {  	_ =	shalt  }
0x6a: {  	_ =	shalt  }
0x6b: {  	_ =	shalt  }
0x6c: {  	_ =	shalt  }
0x6d: {  	_ =	shalt  }
0x6e: {  	_ =	shalt  }
0x6f: {  	_ =	shalt  }
0x70: {  	_ =	shalt  }
0x71: {  	_ =	shalt  }
0x72: {  	_ =	shalt  }
0x73: {  	_ =	shalt  }
0x74: {  	_ =	shalt  }
0x75: {  	_ =	shalt  }
0x76: {  	_ =	shalt  }
0x77: {  	_ =	shalt  }
0x78: {  	_ =	shalt  }
0x79: {  	_ =	shalt  }
0x7a: {  	_ =	shalt  }
0x7b: {  	_ =	shalt  }
0x7c: {  	_ =	shalt  }
0x7d: {  	_ =	shalt  }
0x7e: {  	_ =	shalt  }
0x7f: {  	_ =	shalt  }
0x80: {  	_ =	shalt  }
0x81: {  	_ =	shalt  }
0x82: {  	_ =	shalt  }
0x83: {  	_ =	shalt  }
0x84: {  	_ =	shalt  }
0x85: {  	_ =	shalt  }
0x86: {  	_ =	shalt  }
0x87: {  	_ =	shalt  }
.Lfunc_end0:
.L_simem_size_0:
called_computation_lowered:
.L_overlay_start_0:
0x88: {  	s2 =	sld [smem:$0x3FD9]  }
0x89: {  	s3 =	sld [smem:$0x3FFE];
	_ =	sdelay $0x1  }
0x8a: {  	s1 =	srdreg.scid  }
0x8b: {  	s0 =	sand.u32 $0x1, s1  }
0x8c: {  	s17 =	sshll.u32 s0, $0xA;
	s2 =	sadd.s32 s3, s2  }
0x8d: {  	s2 =	sadd.s32 s2, s17  }
0x8e: {  	[smem:$0x3FB9] =	sst s2  }
0x8f: {  	_ = 	snop  }
0x90: {  	s2 =	sld [smem:$0x3FC4]  }
0x91: {  	s18 =	sld [smem:$0x3FD0];
	(tm) =	ssettm $0x1  }
0x92: {  	s4 =	sld [smem:$0x3FFB];
	_ =	sdelay $0x3  }
0x93: {  	_ =	strace s4  }
0x94: {  	s4 =	sld [smem:$0x3FFC];
	_ =	sdelay $0x3  }
0x95: {  	_ =	strace s4  }
0x96: {  	s4 =	sld [smem:$0x3FFD];
	_ =	sdelay $0x3  }
0x97: {  	_ =	strace s4  }
0x98: {  	_ =	strace $0x8FFFFFFF  }
0x99: {  	s19 =	sld [smem:$0x3FDB];
	_ =	sdelay $0x1  }
0x9a: {  	s5 =	simm.s32 $_scs_section_size  }
0x9b: {  	s6 =	simm.s32 $_size__tile_overlayer_lowered;
	s7 =	simm.s32 $_tile_overlayer_lowered  }
0x9c: {  	s22 =	simm.s32 $0x1BFF;
	s21 =	sshll.u32 s7, $0x1;
	s4 =	sadd.s32 s5, s19  }
0x9d: {  	s8 =	simm.s32 $0x0;
	s20 =	sshll.u32 s6, $0x1;
	s6 =	sadd.s32 s21, s4  }
0x9e: {  	[timem:s8], [sflag:s22] =	dma.local [hbm:s6], s20  }
0x9f: {  	_ =	swait.ge [sflag:s22], s20  }
0xa0: {  	s5 =	ssub.s32 $0x0, s20;
	[sflag:s22] =	ssyncset.done $0x0  }
0xa1: {  	[sflag:s22] =	ssyncadd.s32 s5;
	_ =	sdelay $0x1  }
0xa2: {  	s23 =	simm.s32 $0x1B8B  }
0xa3: {  	_ =	swait.ge [sflag:s23], $0x1  }
0xa4: {  	[sflag:s23] =	ssyncset.done $0x0  }
0xa5: {  	s25 =	simm.s32 $0x1B8E;
	s24 =	sld [smem:$0x3FFE];
	[sflag:s23] =	ssyncadd.s32 $0xFFFFFFFF  }
0xa6: {  	s26 =	simm.s32 $execute0_lowered;
	[smem:$0x3FD2] =	sst s25  }
0xa7: {  	s6 =	sshll.u32 s26, $0x1;
	_ =	strace $0x80000046;
	[dreg:$0x1] =	wrdreg $0xFFFFFFFF  }
0xa8: {  	s28 =	simm.s32 $_size_execute0_lowered;
	s4 =	sadd.s32 s4, s6;
	[dreg:$0x0] =	wrdreg $0x0  }
0xa9: {  	s6 =	sshll.u32 s28, $0x1;
	[dreg:$0x2] =	wrdreg s4  }
0xaa: {  	[dreg:$0x3] =	wrdreg s6  }
0xab: {  	[dreg:$0x4] =	wrdreg $0xC0  }
0xac: {  	_ =	task [dreg:s8], $0x5FFFF  }
0xad: {  	[dreg:$0x1] =	wrdreg $0xFFFFFFFF  }
0xae: {  	[dreg:$0x0] =	wrdreg $0x60  }
0xaf: {  	[dreg:$0x2] =	wrdreg s2  }
0xb0: {  	[dreg:$0x3] =	wrdreg s18  }
0xb1: {  	[dreg:$0x4] =	wrdreg s24  }
0xb2: {  	[dreg:$0x5] =	wrdreg $0x9  }
0xb3: {  	_ =	task.clear_ibuf [dreg:s8], $0x6FFFF;
	_ =	strace $0x90000046  }
0xb4: {  	s29 =	simm.s32 $0x9;
	_ =	strace $0x80000048  }
0xb5: {  	_ =	swait.ge [sflag:s29], $0x1  }
0xb6: {  	[sflag:s29] =	ssyncadd.s32 $0xFFFFFFFF  }
0xb7: {  	_ =	strace $0x90000048  }
0xb8: {  	_ =	sfence  }
0xb9: {  	s30 =	sld [smem:$0x0];
	_ =	sdelay $0x2  }
0xba: {  	s31 =	sshll.u32 s1, $0xD;
	s1 =	sshrl.u32 s1, $0x2  }
0xbb: {  	s3 =	sand.u32 $0x4000, s31;
	s1 =	sadd.s32 s1, s30  }
0xbc: {  	s0 =	sor.u32 s3, s0;
	s1 =	sshll.u32 s1, $0x11  }
0xbd: {  	s0 =	sor.u32 s1, s0  }
0xbe: {  	s0 =	sadd.s32 $0x8F2B, s0  }
0xbf: {  	[sflag:s0] =	ssyncadd.remote.s32 $0x1  }
0xc0: {  	_ =	sfence.sel $0xFFFF  }
0xc1: {  	[dreg:$0x0] =	wrdreg $0xFFFFFFFF;
	(pc) =	sbr.abs _section_cstart, $3  }
0xc2: {  	[dreg:$0x1] =	wrdreg $0xFFFFFFFF  }
0xc3: {  	_ =	task.clear_ibuf [dreg:s8], $0x2FFFF;
	_ =	strace $0x9FFFFFFF  }
0xc4: {  	(tm) =	ssettm $0x7FFFFFFF  }
0xc5: {  	_ =	shalt  }
tec
execute0_lowered:
.L_overlay_start_1:
0x0: {  	(tag) =	ssettag $0x1  }
0x1: {  	s1 =	rddreg [dreg:$0x0]  }
0x2: {  	s0 =	rddreg [dreg:$0x1]  }
0x3: {  	s2 =	rddreg [dreg:$0x2];
	s3 =	simm.s32 $0x0;
	s6 =	stileid.u32  }
0x4: {  	s4 =	srdreg.scid;
	s8 =	simm.s32 $0x40;
	s28 =	simm.s32 $0x15400  }
0x5: {  	s29 =	simm.s32 $0x1;
	s30 =	simm.s32 $0xB;
	s31 =	simm.s32 $0x2  }
0x6: {  	s10 =	simm.s32 $0xD;
	s12 =	simm.s32 $0x4;
	s14 =	simm.s32 $0xE  }
0x7: {  	s16 =	simm.s32 $0x5;
	s18 =	simm.s32 $0xF;
	s20 =	simm.s32 $0x6  }
0x8: {  	s22 =	simm.s32 $0x10;
	s9 =	simm.s32 $0xA;
	s11 =	simm.s32 $0x14  }
0x9: {  	s15 =	simm.s32 $0x0;
	[smem:$0x7FF] =	sst s3;
	s4 =	sand.u32 $0x1, s4  }
0xa: {  	s5 =	smul.u32 $0x32000, s6;
	s6 =	sshll.u32 s6, $0x1;
	s7 =	ssub.s32 $0x2, s4  }
0xb: {  	s6 =	sor.u32 s4, s6;
	s4 =	smul.u32 $0x19000, s4;
	_ =	strace $0x80000047  }
0xc: {  	s2 =	sadd.s32 s5, s2;
	s24 =	sshrl.u32 s7, $0x1;
	s6 =	smul.u32 $0x680, s6  }
0xd: {  	s5 =	ssub.s32 s7, s24;
	s2 =	sadd.s32 s4, s2;
	s24 =	simm.s32 $0x7  }
.Ltmp0:
0xe: {  	s4 =	simm.s32 $0x8;
	s0 =	sadd.s32 s0, s6;
	(pc) =	sbr.rel .LBB2_1-.Ltmp0, $4  }
0xf: {  	s7 =	simm.s32 $0x13;
	s25 =	smax.u32 s5, $0x1;
	[dreg:$0x4] =	wrdreg s0  }
0x10: {  	s26 =	sadd.s32 $0x4E00, s2;
	s2 =	simm.s32 $0x3;
	[dreg:$0x5] =	wrdreg s25  }
0x11: {  	s5 =	simm.s32 $0x12;
	s6 =	simm.s32 $0x9;
	[dreg:$0x6] =	wrdreg s26  }
0x12: {  	s25 =	simm.s32 $0x13400;
	s0 =	simm.s32 $0xC;
	s26 =	simm.s32 $0x11  }
.LBB2_4:
0x13: {  	s15 =	rddreg [dreg:$0x7]  }
0x14: {  	s13 =	rddreg [dreg:$0x5];
	s15 =	sadd.s32 $0x1, s15  }
0x15: {  	p0 =	sne.s32 s15, s13  }
.Ltmp1:
0x16: {  	_ = 	snop;
	(pc) =	sbr.rel @!p0 .LBB2_5-.Ltmp1, $1  }
0x17: {  	_ =	sdelay $0x3  }
.LBB2_1:
0x18: {  	[dreg:$0x7] =	wrdreg s15  }
0x19: {  	s13 =	rddreg [dreg:$0x4];
	s23 =	simm.s32 $0x15  }
0x1a: {  	[tilespmem:s3], [sflag:$0x15] =	stream.linear.gather [hbm4b:s13+s3], $0x3200, $0x38;
	[tilespmem:$0x17400] =	vst v63  }
0x1b: {  	_ =	swait.ge [sflag:s23], $0x3200  }
0x1c: {  	[sflag:s23] =	ssyncset.done $0x0  }
0x1d: {  	s15 =	simm.s32 $0x3400;
	[sflag:s23] =	ssyncadd.s32 $0xFFFFCE00  }
0x1e: {  	[tilespmem:s15], [sflag:$0x1] =	stream.indirect.gather [hbm4b:s1+s8], $0x80, s3, s8, $0xb8;
	[tilespmem:$0x17400] =	vst v63  }
0x1f: {  	s17 =	simm.s32 $0x80;
	s19 =	simm.s32 $0x5400  }
0x20: {  	[tilespmem:s19], [sflag:$0x2] =	stream.indirect.gather [hbm4b:s1+s8], $0x80, s17, s8, $0xb8;
	[tilespmem:$0x17400] =	vst v63  }
0x21: {  	s21 =	simm.s32 $0x100;
	s23 =	simm.s32 $0x7400  }
0x22: {  	[tilespmem:s23], [sflag:$0x3] =	stream.indirect.gather [hbm4b:s1+s8], $0x80, s21, s8, $0xb8;
	[tilespmem:$0x17400] =	vst v63  }
0x23: {  	s17 =	simm.s32 $0x180;
	s19 =	simm.s32 $0x9400  }
0x24: {  	[tilespmem:s19], [sflag:$0x4] =	stream.indirect.gather [hbm4b:s1+s8], $0x80, s17, s8, $0xb8;
	[tilespmem:$0x17400] =	vst v63  }
0x25: {  	s21 =	simm.s32 $0x200;
	s23 =	simm.s32 $0xB400  }
0x26: {  	[tilespmem:s23], [sflag:$0x5] =	stream.indirect.gather [hbm4b:s1+s8], $0x80, s21, s8, $0xb8;
	[tilespmem:$0x17400] =	vst v63  }
0x27: {  	s17 =	simm.s32 $0x280;
	s19 =	simm.s32 $0xD400  }
0x28: {  	[tilespmem:s19], [sflag:$0x6] =	stream.indirect.gather [hbm4b:s1+s8], $0x80, s17, s8, $0xb8;
	[tilespmem:$0x17400] =	vst v63  }
0x29: {  	s21 =	simm.s32 $0x300;
	s23 =	simm.s32 $0xF400  }
0x2a: {  	[tilespmem:s23], [sflag:$0x7] =	stream.indirect.gather [hbm4b:s1+s8], $0x80, s21, s8, $0xb8;
	[tilespmem:$0x17400] =	vst v63  }
0x2b: {  	s17 =	simm.s32 $0x380;
	s19 =	simm.s32 $0x11400  }
0x2c: {  	[tilespmem:s19], [sflag:$0x8] =	stream.indirect.gather [hbm4b:s1+s8], $0x80, s17, s8, $0xb8;
	[tilespmem:$0x17400] =	vst v63  }
0x2d: {  	s21 =	simm.s32 $0x400  }
0x2e: {  	[tilespmem:s25], [sflag:$0x9] =	stream.indirect.gather [hbm4b:s1+s8], $0x80, s21, s8, $0xb8;
	[tilespmem:$0x17400] =	vst v63  }
0x2f: {  	s13 =	rddreg [dreg:$0x6];
	s15 =	simm.s32 $0x0;
	s23 =	simm.s32 $0x480  }
0x30: {  	[tilespmem:s28], [sflag:$0xA] =	stream.indirect.gather [hbm4b:s1+s8], $0x80, s23, s8, $0xb8;
	[tilespmem:$0x17400] =	vst v63  }
.LBB2_2:
0x31: {  	_ =	swait.ge [sflag:s29], $0x2000  }
0x32: {  	[sflag:s29] =	ssyncset.done $0x0  }
0x33: {  	s17 =	sadd.s32 $0xFFFFDC00, s13;
	s19 =	simm.s32 $0x3400;
	[sflag:s29] =	ssyncadd.s32 $0xFFFFE000  }
0x34: {  	[hbm4b:s17+s3] =	stream.linear.scatter [tilespmem:s19], [sflag:$0xB], $0x2000, $0x38;
	[tilespmem:$0x17400] =	vst v63  }
0x35: {  	p0 =	seq.s32 s15, $0xB400;
	_ =	swait.ge [sflag:s30], $0x2000  }
0x36: {  	s23 =	simm.s32 @!p0 $0x3400;
	s17 =	sshra.s32 @!p0 s15, $0x2;
	[sflag:s30] =	ssyncset.done $0x0  }
0x37: {  	s19 =	simm.s32 @!p0 $0x40;
	s21 =	sadd.s32 @!p0 $0x500, s17;
	[sflag:s30] =	ssyncadd.s32 $0xFFFFE000  }
0x38: {  	[tilespmem:s23], [sflag:$0x1] =	stream.indirect.gather @!p0 [hbm4b:s1+s19], $0x80, s21, s19, $0xb8;
	[tilespmem:$0x17400] =	vst v63  }
0x39: {  	_ =	swait.ge [sflag:s31], $0x2000  }
0x3a: {  	[sflag:s31] =	ssyncset.done $0x0  }
0x3b: {  	s21 =	sadd.s32 $0xFFFFE000, s13;
	s23 =	simm.s32 $0x5400;
	[sflag:s31] =	ssyncadd.s32 $0xFFFFE000  }
0x3c: {  	[hbm4b:s21+s3] =	stream.linear.scatter [tilespmem:s23], [sflag:$0xC], $0x2000, $0x38;
	[tilespmem:$0x17400] =	vst v63  }
0x3d: {  	_ =	swait.ge [sflag:s0], $0x2000  }
0x3e: {  	[sflag:s0] =	ssyncset.done $0x0  }
0x3f: {  	s21 =	sadd.s32 @!p0 $0x580, s17;
	s23 =	simm.s32 @!p0 $0x5400;
	[sflag:s0] =	ssyncadd.s32 $0xFFFFE000  }
0x40: {  	[tilespmem:s23], [sflag:$0x2] =	stream.indirect.gather @!p0 [hbm4b:s1+s19], $0x80, s21, s19, $0xb8;
	[tilespmem:$0x17400] =	vst v63  }
0x41: {  	_ =	swait.ge [sflag:s2], $0x2000  }
0x42: {  	[sflag:s2] =	ssyncset.done $0x0  }
0x43: {  	s21 =	sadd.s32 $0xFFFFE400, s13;
	s23 =	simm.s32 $0x7400;
	[sflag:s2] =	ssyncadd.s32 $0xFFFFE000  }
0x44: {  	[hbm4b:s21+s3] =	stream.linear.scatter [tilespmem:s23], [sflag:$0xD], $0x2000, $0x38;
	[tilespmem:$0x17400] =	vst v63  }
0x45: {  	_ =	swait.ge [sflag:s10], $0x2000  }
0x46: {  	[sflag:s10] =	ssyncset.done $0x0  }
0x47: {  	s21 =	sadd.s32 @!p0 $0x600, s17;
	s23 =	simm.s32 @!p0 $0x7400;
	[sflag:s10] =	ssyncadd.s32 $0xFFFFE000  }
0x48: {  	[tilespmem:s23], [sflag:$0x3] =	stream.indirect.gather @!p0 [hbm4b:s1+s19], $0x80, s21, s19, $0xb8;
	[tilespmem:$0x17400] =	vst v63  }
0x49: {  	_ =	swait.ge [sflag:s12], $0x2000  }
0x4a: {  	[sflag:s12] =	ssyncset.done $0x0  }
0x4b: {  	s21 =	sadd.s32 $0xFFFFE800, s13;
	s23 =	simm.s32 $0x9400;
	[sflag:s12] =	ssyncadd.s32 $0xFFFFE000  }
0x4c: {  	[hbm4b:s21+s3] =	stream.linear.scatter [tilespmem:s23], [sflag:$0xE], $0x2000, $0x38;
	[tilespmem:$0x17400] =	vst v63  }
0x4d: {  	_ =	swait.ge [sflag:s14], $0x2000  }
0x4e: {  	[sflag:s14] =	ssyncset.done $0x0  }
0x4f: {  	s21 =	sadd.s32 @!p0 $0x680, s17;
	s23 =	simm.s32 @!p0 $0x9400;
	[sflag:s14] =	ssyncadd.s32 $0xFFFFE000  }
0x50: {  	[tilespmem:s23], [sflag:$0x4] =	stream.indirect.gather @!p0 [hbm4b:s1+s19], $0x80, s21, s19, $0xb8;
	[tilespmem:$0x17400] =	vst v63  }
0x51: {  	_ =	swait.ge [sflag:s16], $0x2000  }
0x52: {  	[sflag:s16] =	ssyncset.done $0x0  }
0x53: {  	s21 =	sadd.s32 $0xFFFFEC00, s13;
	s23 =	simm.s32 $0xB400;
	[sflag:s16] =	ssyncadd.s32 $0xFFFFE000  }
0x54: {  	[hbm4b:s21+s3] =	stream.linear.scatter [tilespmem:s23], [sflag:$0xF], $0x2000, $0x38;
	[tilespmem:$0x17400] =	vst v63  }
0x55: {  	_ =	swait.ge [sflag:s18], $0x2000  }
0x56: {  	[sflag:s18] =	ssyncset.done $0x0  }
0x57: {  	s21 =	sadd.s32 @!p0 $0x700, s17;
	s23 =	simm.s32 @!p0 $0xB400;
	[sflag:s18] =	ssyncadd.s32 $0xFFFFE000  }
0x58: {  	[tilespmem:s23], [sflag:$0x5] =	stream.indirect.gather @!p0 [hbm4b:s1+s19], $0x80, s21, s19, $0xb8;
	[tilespmem:$0x17400] =	vst v63  }
0x59: {  	_ =	swait.ge [sflag:s20], $0x2000  }
0x5a: {  	[sflag:s20] =	ssyncset.done $0x0  }
0x5b: {  	s21 =	sadd.s32 $0xFFFFF000, s13;
	s23 =	simm.s32 $0xD400;
	[sflag:s20] =	ssyncadd.s32 $0xFFFFE000  }
0x5c: {  	[hbm4b:s21+s3] =	stream.linear.scatter [tilespmem:s23], [sflag:$0x10], $0x2000, $0x38;
	[tilespmem:$0x17400] =	vst v63  }
0x5d: {  	_ =	swait.ge [sflag:s22], $0x2000  }
0x5e: {  	[sflag:s22] =	ssyncset.done $0x0  }
0x5f: {  	s21 =	sadd.s32 @!p0 $0x780, s17;
	s23 =	simm.s32 @!p0 $0xD400;
	[sflag:s22] =	ssyncadd.s32 $0xFFFFE000  }
0x60: {  	[tilespmem:s23], [sflag:$0x6] =	stream.indirect.gather @!p0 [hbm4b:s1+s19], $0x80, s21, s19, $0xb8;
	[tilespmem:$0x17400] =	vst v63  }
0x61: {  	_ =	swait.ge [sflag:s24], $0x2000  }
0x62: {  	[sflag:s24] =	ssyncset.done $0x0  }
0x63: {  	s21 =	sadd.s32 $0xFFFFF400, s13;
	s23 =	simm.s32 $0xF400;
	[sflag:s24] =	ssyncadd.s32 $0xFFFFE000  }
0x64: {  	[hbm4b:s21+s3] =	stream.linear.scatter [tilespmem:s23], [sflag:$0x11], $0x2000, $0x38;
	[tilespmem:$0x17400] =	vst v63  }
0x65: {  	_ =	swait.ge [sflag:s26], $0x2000  }
0x66: {  	[sflag:s26] =	ssyncset.done $0x0  }
0x67: {  	s21 =	sadd.s32 @!p0 $0x800, s17;
	s23 =	simm.s32 @!p0 $0xF400;
	[sflag:s26] =	ssyncadd.s32 $0xFFFFE000  }
0x68: {  	[tilespmem:s23], [sflag:$0x7] =	stream.indirect.gather @!p0 [hbm4b:s1+s19], $0x80, s21, s19, $0xb8;
	[tilespmem:$0x17400] =	vst v63  }
0x69: {  	_ =	swait.ge [sflag:s4], $0x2000  }
0x6a: {  	[sflag:s4] =	ssyncset.done $0x0  }
0x6b: {  	s21 =	sadd.s32 $0xFFFFF800, s13;
	s23 =	simm.s32 $0x11400;
	[sflag:s4] =	ssyncadd.s32 $0xFFFFE000  }
0x6c: {  	[hbm4b:s21+s3] =	stream.linear.scatter [tilespmem:s23], [sflag:$0x12], $0x2000, $0x38;
	[tilespmem:$0x17400] =	vst v63  }
0x6d: {  	_ =	swait.ge [sflag:s5], $0x2000  }
0x6e: {  	[sflag:s5] =	ssyncset.done $0x0  }
0x6f: {  	s21 =	sadd.s32 @!p0 $0x880, s17;
	s23 =	simm.s32 @!p0 $0x11400;
	[sflag:s5] =	ssyncadd.s32 $0xFFFFE000  }
0x70: {  	[tilespmem:s23], [sflag:$0x8] =	stream.indirect.gather @!p0 [hbm4b:s1+s19], $0x80, s21, s19, $0xb8;
	[tilespmem:$0x17400] =	vst v63  }
0x71: {  	_ =	swait.ge [sflag:s6], $0x2000  }
0x72: {  	[sflag:s6] =	ssyncset.done $0x0  }
0x73: {  	s23 =	sadd.s32 $0xFFFFFC00, s13;
	[sflag:s6] =	ssyncadd.s32 $0xFFFFE000  }
0x74: {  	[hbm4b:s23+s3] =	stream.linear.scatter [tilespmem:s25], [sflag:$0x13], $0x2000, $0x38;
	[tilespmem:$0x17400] =	vst v63  }
0x75: {  	_ =	swait.ge [sflag:s7], $0x2000  }
0x76: {  	[sflag:s7] =	ssyncset.done $0x0  }
0x77: {  	s17 =	sadd.s32 @!p0 $0x900, s17;
	s21 =	simm.s32 @!p0 $0x13400;
	[sflag:s7] =	ssyncadd.s32 $0xFFFFE000  }
0x78: {  	[tilespmem:s21], [sflag:$0x9] =	stream.indirect.gather @!p0 [hbm4b:s1+s19], $0x80, s17, s19, $0xb8;
	[tilespmem:$0x17400] =	vst v63  }
0x79: {  	_ =	swait.ge [sflag:s9], $0x2000  }
0x7a: {  	[sflag:s9] =	ssyncset.done $0x0  }
.Ltmp2:
0x7b: {  	[sflag:s9] =	ssyncadd.s32 $0xFFFFE000;
	(pc) =	sbr.rel @p0 .LBB2_4-.Ltmp2, $4  }
0x7c: {  	[hbm4b:s13+s3] =	stream.linear.scatter [tilespmem:s28], [sflag:$0x14], $0x2000, $0x38;
	[tilespmem:$0x17400] =	vst v63  }
0x7d: {  	_ =	swait.ge [sflag:s11], $0x2000  }
0x7e: {  	[sflag:s11] =	ssyncset.done $0x0  }
0x7f: {  	[sflag:s11] =	ssyncadd.s32 $0xFFFFE000  }
.Ltmp3:
0x80: {  	(pc) =	sbr.rel .LBB2_2-.Ltmp3, $4  }
0x81: {  	_ = 	snop  }
0x82: {  	s17 =	sshra.s32 s15, $0x2  }
0x83: {  	s15 =	sadd.s32 $0x1400, s15;
	s13 =	sadd.s32 $0x2800, s13;
	s17 =	sadd.s32 $0x980, s17  }
0x84: {  	[tilespmem:s28], [sflag:$0xA] =	stream.indirect.gather [hbm4b:s1+s8], $0x80, s17, s8, $0xb8;
	[tilespmem:$0x17400] =	vst v63  }
.LBB2_5:
0x85: {  	_ =	sfence.sel $0x180000  }
0x86: {  	[bflag:$0x0] =	sbarrier.arrive $0xFFFF  }
0x87: {  	_ =	strace $0x90000047  }
0x88: {  	s0 =	stileid.u32;
	[bflag:$0x2] =	sbarrier.arrive $0xFFFF  }
0x89: {  	p0 =	sne.s32 s0, $0x0;
	s0 =	rddreg [dreg:$0x3]  }
0x8a: {  	s0 =	sadd.s32 @!p0 $0x100000, s0  }
0x8b: {  	[sflag:s0] =	ssyncadd.tile.s32 @!p0 $0x1;
	_ =	shalt  }
.Lfunc_end2:
_tile_overlayer_lowered:
.L_overlay_start_2:
0x8c: {  	(tag) =	ssettag $0x2  }
0x8d: {  	s0 =	rddreg [dreg:$0x0];
	s2 =	stileid.u32  }
0x8e: {  	s1 =	rddreg [dreg:$0x1];
	p0 =	sne.s32 s2, $0x0  }
0x8f: {  	s3 =	rddreg [dreg:$0x2];
	[bflag:$0x3] =	sbarrier.arrive $0xFFFF;
	s2 =	simm.s32 @!p0 $0x1C15  }
0x90: {  	[timem:s3], [sflag:s2] =	dma.local @!p0 [hbm:s0], s1  }
0x91: {  	s0 =	simm.s32 @!p0 $0x15  }
0x92: {  	_ =	swait.ge @!p0 [sflag:s0], s1  }
0x93: {  	s1 =	ssub.s32 @!p0 $0x0, s1;
	[sflag:s0] =	ssyncset.done @!p0 $0x0  }
0x94: {  	[sflag:s0] =	ssyncadd.s32 @!p0 s1  }
0x95: {  	[bflag:$0x3] =	sbarrier.arrive $0xFFFF  }
0x96: {  	_ =	shalt  }

</sc_bundles>
